<compile_context>
chip_gen: v7x
topology: tpu7x:2x2x1
jax: 0.10.2.dev20260603
libtpu: 0.0.44.dev20260713+nightly
codegen_flags: <defaults>
</compile_context>

<pallas_src>
import functools

import jax
import jax.numpy as jnp
from jax import lax
from jax.experimental import pallas as pl
from jax.experimental.pallas import tpu as pltpu
from jax.experimental.pallas import tpu_sc as plsc

N = 10000
E = 320000
D = 128
NT = 8
OUT = 128

NC = 2
NS = 16
DH = D // NC
EPT = E // NS
CH = 125
NIB = 2
NCHUNK = EPT // (CH * NIB)
NPAD = 10240
ROWS_PT = NPAD // NS
ZR = 128
DEGW = 16
L = 16


def _sc_aggregate(feat2, edge4d):
  mesh = plsc.VectorSubcoreMesh(core_axis_name="c", subcore_axis_name="s")

  @functools.partial(
      pl.kernel,
      mesh=mesh,
      out_type=[
          jax.ShapeDtypeStruct((NPAD, D), jnp.float32),
          jax.ShapeDtypeStruct((NPAD, NC * DEGW), jnp.float32),
      ],
      scratch_types=[
          pltpu.VMEM((NCHUNK, CH), jnp.int32),
          pltpu.VMEM((NCHUNK, CH), jnp.int32),
          pltpu.VMEM((CH, DH), jnp.float32),
          pltpu.VMEM((CH, DH), jnp.float32),
          pltpu.VMEM((CH, DEGW), jnp.float32),
          pltpu.VMEM((ZR, DH), jnp.float32),
          pltpu.VMEM((ZR, DEGW), jnp.float32),
          pltpu.VMEM_SHARED((NPAD, DH), jnp.float32),
          pltpu.VMEM_SHARED((NPAD, DEGW), jnp.float32),
          pltpu.SemaphoreType.DMA,
          pltpu.SemaphoreType.DMA,
          pltpu.SemaphoreType.DMA,
      ],
      compiler_params=pltpu.CompilerParams(use_tc_tiling_on_sc=False),
  )
  def agg(feat_hbm, edge_hbm, psum_hbm, pdeg_hbm,
          src_v, dst_v, rows0_v, rows1_v, ones_v, zb_v, zbd_v,
          acc_sum, acc_deg, sem0, sem1, semo):
    c = lax.axis_index("c")
    s = lax.axis_index("s")

    zeros = jnp.zeros((L,), jnp.float32)
    ones = jnp.full((L,), 1.0, jnp.float32)

    def fill_bufs(i, _):
      for j in range(DH // L):
        zb_v[i, pl.ds(j * L, L)] = zeros
      zbd_v[i] = zeros
      return 0
    lax.fori_loop(0, ZR, fill_bufs, 0)

    def fill_ones(i, _):
      ones_v[i] = ones
      return 0
    lax.fori_loop(0, CH, fill_ones, 0)

    for r in range(ROWS_PT // ZR):
      off = s * ROWS_PT + r * ZR
      pltpu.sync_copy(zb_v, acc_sum.at[pl.ds(off, ZR)])
      pltpu.sync_copy(zbd_v, acc_deg.at[pl.ds(off, ZR)])
    plsc.subcore_barrier()

    def fire(j, buf, sem):
      pltpu.async_copy(feat_hbm.at[c].at[src_v.at[j]], buf, sem)

    for p in range(NIB):
      blk = s * NIB + p
      pltpu.sync_copy(edge_hbm.at[0].at[blk], src_v)
      pltpu.sync_copy(edge_hbm.at[1].at[blk], dst_v)

      fire(0, rows0_v, sem0)

      def step(j2, _, p=p):
        j = 2 * j2
        fire(j + 1, rows1_v, sem1)
        pltpu.make_async_copy(feat_hbm.at[c].at[src_v.at[j]], rows0_v,
                              sem0).wait()
        pltpu.sync_copy(rows0_v, acc_sum.at[dst_v.at[j]], add=True)

        @pl.when(c == p)
        def _():
          pltpu.async_copy(ones_v, acc_deg.at[dst_v.at[j]], semo, add=True)

        @pl.when(j2 < NCHUNK // 2 - 1)
        def _():
          fire(j + 2, rows0_v, sem0)
        pltpu.make_async_copy(feat_hbm.at[c].at[src_v.at[j + 1]], rows1_v,
                              sem1).wait()
        pltpu.sync_copy(rows1_v, acc_sum.at[dst_v.at[j + 1]], add=True)

        @pl.when(c == p)
        def _():
          pltpu.async_copy(ones_v, acc_deg.at[dst_v.at[j + 1]], semo, add=True)
        return 0
      lax.fori_loop(0, NCHUNK // 2, step, 0)

      @pl.when(c == p)
      def _():
        def drain(j, _):
          pltpu.make_async_copy(ones_v, acc_deg.at[dst_v.at[j]], semo).wait()
          return 0
        lax.fori_loop(0, NCHUNK, drain, 0)

    plsc.subcore_barrier()
    for r in range(ROWS_PT // ZR):
      off = s * ROWS_PT + r * ZR
      pltpu.sync_copy(acc_sum.at[pl.ds(off, ZR)],
                      psum_hbm.at[pl.ds(off, ZR), pl.ds(c * DH, DH)])
      pltpu.sync_copy(acc_deg.at[pl.ds(off, ZR)],
                      pdeg_hbm.at[pl.ds(off, ZR), pl.ds(c * DEGW, DEGW)])

  return agg(feat2, edge4d)


BLK = 1000


def _combine_body(psum_ref, pdeg_ref, ntype_ref, ws_ref, bs_ref, wn_ref,
                  bn_ref, out_ref):
  s = psum_ref[...]
  deg = (jnp.max(pdeg_ref[:, :DEGW], axis=-1)
         + jnp.max(pdeg_ref[:, DEGW:], axis=-1))
  h = s / jnp.maximum(deg, 1.0)[:, None]
  self_part = lax.dot_general(
      ntype_ref[...], ws_ref[...], (((1,), (1,)), ((), ())),
      preferred_element_type=jnp.float32)
  neigh_part = lax.dot_general(
      h, wn_ref[...], (((1,), (1,)), ((), ())),
      preferred_element_type=jnp.float32)
  out_ref[...] = self_part + neigh_part + bs_ref[...] + bn_ref[...]


def _combine(psum, pdeg, ntype, W_self, b_self, W_neigh, b_neigh):
  return pl.pallas_call(
      _combine_body,
      grid=(N // BLK,),
      in_specs=[
          pl.BlockSpec((BLK, D), lambda i: (i, 0)),
          pl.BlockSpec((BLK, NC * DEGW), lambda i: (i, 0)),
          pl.BlockSpec((BLK, NT), lambda i: (i, 0)),
          pl.BlockSpec((OUT, NT), lambda i: (0, 0)),
          pl.BlockSpec((1, OUT), lambda i: (0, 0)),
          pl.BlockSpec((OUT, D), lambda i: (0, 0)),
          pl.BlockSpec((1, OUT), lambda i: (0, 0)),
      ],
      out_specs=pl.BlockSpec((BLK, OUT), lambda i: (i, 0)),
      out_shape=jax.ShapeDtypeStruct((N, OUT), jnp.float32),
  )(psum, pdeg, ntype, W_self, b_self, W_neigh, b_neigh)


def kernel(act_flag, feat, edge_index, ntype, W_self, b_self, W_neigh,
           b_neigh):
  del act_flag
  feat2 = jnp.stack([feat[:, :DH], feat[:, DH:]])
  edge4d = edge_index.reshape(2, NS * NIB, NCHUNK, CH)
  psum, pdeg = _sc_aggregate(feat2, edge4d)
  return _combine(psum, pdeg, ntype, W_self, b_self.reshape(1, OUT),
                  W_neigh, b_neigh.reshape(1, OUT))

# --- scband reference (transcript-rebuilt; emitter-appended) ---
"""Pipeline reference for scband-sageconv-78340203479622 (READ-ONLY COPY).

The authoritative reference and input builder live on the scoring server;
editing this copy changes nothing except your own understanding.
"""

import jax, jax.numpy as jnp
import numpy as np

N = 10000
E = 320000
D = 128
NT = 8
OUT = 128


def setup_inputs(seed: int = 0) -> dict:
    key = jax.random.key(seed)
    k1, k2, k3, k4, k5 = jax.random.split(key, 5)
    feat = jax.random.normal(k1, (N, D), dtype=jnp.float32)
    edge_index = jax.random.randint(k2, (2, E), 0, N, dtype=jnp.int32)
    ntype = jax.random.uniform(k3, (N, NT), dtype=jnp.float32)
    # Learned parameters per init_kwargs: fc_self: Linear(ntypes=8 -> 128), fc_neigh: Linear(128 -> 128)
    W_self = jax.random.normal(k4, (OUT, NT), dtype=jnp.float32) * 0.05
    b_self = jnp.zeros((OUT,), dtype=jnp.float32)
    W_neigh = jax.random.normal(k5, (OUT, D), dtype=jnp.float32) * 0.05
    b_neigh = jnp.zeros((OUT,), dtype=jnp.float32)
    return {
        "act_flag": 0,
        "feat": feat,
        "edge_index": edge_index,
        "ntype": ntype,
        "W_self": W_self,
        "b_self": b_self,
        "W_neigh": W_neigh,
        "b_neigh": b_neigh,
    }


def reference(act_flag, feat, edge_index, ntype, W_self, b_self, W_neigh, b_neigh):
    # DGL SAGEConv forward (include=False, aggregator='mean', combine='sum', activation=None):
    #   feat_src = feat; feat_dst = graph.dstdata['ntype']
    #   update_all(copy_src('h','m'), mean('m','neigh'))
    #   rst = fc_self(h_self) + fc_neigh(h_neigh)
    src = edge_index[0]
    dst = edge_index[1]
    n = ntype.shape[0]
    # message passing: gather source features along edges (copy_src)
    msgs = jnp.take(feat, src, axis=0)
    # mean aggregation over mailbox -> scatter-add + degree normalization
    summed = jax.ops.segment_sum(msgs, dst, num_segments=n)
    deg = jax.ops.segment_sum(jnp.ones((dst.shape[0],), dtype=jnp.float32), dst, num_segments=n)
    h_neigh = summed / jnp.maximum(deg, 1.0)[:, None]
    h_self = ntype
    rst = h_self @ W_self.T + b_self + h_neigh @ W_neigh.T + b_neigh
    # act_flag falsy and activation is None -> no activation applied
    return rst

if __name__ == "__main__":
    import jax
    _d = setup_inputs()
    print(jax.jit(kernel)(*tuple(_d.values())))

</pallas_src>

<mosaic_0001>
#map = affine_map<(d0, d1) -> (0, 0, 0)>
#map1 = affine_map<(d0, d1) -> (0, 0, 0, 0)>
#map2 = affine_map<(d0, d1) -> (0, 0)>
module attributes {stable_mosaic.version = 14 : i64} {
  func.func @agg(%arg0: i32, %arg1: i32, %arg2: memref<2x10000x64xf32, #tpu.memory_space<hbm>>, %arg3: memref<2x32x80x125xi32, #tpu.memory_space<hbm>>, %arg4: memref<10240x128xf32, #tpu.memory_space<hbm>>, %arg5: memref<10240x32xf32, #tpu.memory_space<hbm>>, %arg6: memref<80x125xi32, #tpu.memory_space<vmem>>, %arg7: memref<80x125xi32, #tpu.memory_space<vmem>>, %arg8: memref<125x64xf32, #tpu.memory_space<vmem>>, %arg9: memref<125x64xf32, #tpu.memory_space<vmem>>, %arg10: memref<125x16xf32, #tpu.memory_space<vmem>>, %arg11: memref<128x64xf32, #tpu.memory_space<vmem>>, %arg12: memref<128x16xf32, #tpu.memory_space<vmem>>, %arg13: memref<10240x64xf32, #tpu.memory_space<vmem_shared>>, %arg14: memref<10240x16xf32, #tpu.memory_space<vmem_shared>>, %arg15: memref<!tpu.dma_semaphore, #tpu.memory_space<semaphore_mem>>, %arg16: memref<!tpu.dma_semaphore, #tpu.memory_space<semaphore_mem>>, %arg17: memref<!tpu.dma_semaphore, #tpu.memory_space<semaphore_mem>>) attributes {dimension_semantics = [#tpu.dimension_semantics<core_parallel>, #tpu.dimension_semantics<subcore_parallel>], iteration_bounds = array<i64: 2, 16>, scalar_prefetch = 0 : i64, scratch_operands = 12 : i64, tpu.core_type = #tpu.core_type<sc_vector_subcore>, window_params = [{transform_indices = #map}, {transform_indices = #map1}, {transform_indices = #map2}, {transform_indices = #map2}]} {
    %broadcast_in_dim3A = arith.constant 0.000000e+00 : f32
    %broadcast_in_dim3A_0 = vector.broadcast %broadcast_in_dim3A : f32 to vector<16xf32>
    %broadcast_in_dim3A_1 = arith.constant 1.000000e+00 : f32
    %broadcast_in_dim3A_2 = vector.broadcast %broadcast_in_dim3A_1 : f32 to vector<16xf32>
    %scan3A = arith.constant 0 : i32
    %scan3A_3 = arith.constant 0 : i32
    %scan3A_4 = arith.constant 128 : i32
    %scan3A_5 = arith.addi %scan3A_3, %scan3A_4 : i32
    %scan3A_6 = arith.constant 1 : i32
    %scan3A_7 = scf.for %scan3A_128 = %scan3A_3 to %scan3A_5 step %scan3A_6 iter_args(%scan3A_129 = %scan3A) -> (i32)  : i32 {
      %swap3A = arith.index_cast %scan3A_128 : i32 to index
      %swap3A_130 = arith.constant 0 : index
      %swap3A_131 = tpu.vector_load %arg11[%swap3A, %swap3A_130] {strides = array<i32>} : memref<128x64xf32, #tpu.memory_space<vmem>>, vector<1x16xf32>,
      %swap3A_132 = vector.shape_cast %swap3A_131 : vector<1x16xf32> to vector<16xf32>
      %swap3A_133 = vector.shape_cast %broadcast_in_dim3A_0 : vector<16xf32> to vector<1x16xf32>
      tpu.vector_store %arg11[%swap3A, %swap3A_130], %swap3A_133 {strides = array<i32>} : memref<128x64xf32, #tpu.memory_space<vmem>>, vector<1x16xf32>,
      %swap3A_134 = arith.index_cast %scan3A_128 : i32 to index
      %swap3A_135 = arith.constant 16 : index
      %swap3A_136 = tpu.vector_load %arg11[%swap3A_134, %swap3A_135] {strides = array<i32>} : memref<128x64xf32, #tpu.memory_space<vmem>>, vector<1x16xf32>,
      %swap3A_137 = vector.shape_cast %swap3A_136 : vector<1x16xf32> to vector<16xf32>
      %swap3A_138 = vector.shape_cast %broadcast_in_dim3A_0 : vector<16xf32> to vector<1x16xf32>
      tpu.vector_store %arg11[%swap3A_134, %swap3A_135], %swap3A_138 {strides = array<i32>} : memref<128x64xf32, #tpu.memory_space<vmem>>, vector<1x16xf32>,
      %swap3A_139 = arith.index_cast %scan3A_128 : i32 to index
      %swap3A_140 = arith.constant 32 : index
      %swap3A_141 = tpu.vector_load %arg11[%swap3A_139, %swap3A_140] {strides = array<i32>} : memref<128x64xf32, #tpu.memory_space<vmem>>, vector<1x16xf32>,
      %swap3A_142 = vector.shape_cast %swap3A_141 : vector<1x16xf32> to vector<16xf32>
      %swap3A_143 = vector.shape_cast %broadcast_in_dim3A_0 : vector<16xf32> to vector<1x16xf32>
      tpu.vector_store %arg11[%swap3A_139, %swap3A_140], %swap3A_143 {strides = array<i32>} : memref<128x64xf32, #tpu.memory_space<vmem>>, vector<1x16xf32>,
      %swap3A_144 = arith.index_cast %scan3A_128 : i32 to index
      %swap3A_145 = arith.constant 48 : index
      %swap3A_146 = tpu.vector_load %arg11[%swap3A_144, %swap3A_145] {strides = array<i32>} : memref<128x64xf32, #tpu.memory_space<vmem>>, vector<1x16xf32>,
      %swap3A_147 = vector.shape_cast %swap3A_146 : vector<1x16xf32> to vector<16xf32>
      %swap3A_148 = vector.shape_cast %broadcast_in_dim3A_0 : vector<16xf32> to vector<1x16xf32>
      tpu.vector_store %arg11[%swap3A_144, %swap3A_145], %swap3A_148 {strides = array<i32>} : memref<128x64xf32, #tpu.memory_space<vmem>>, vector<1x16xf32>,
      %swap3A_149 = arith.index_cast %scan3A_128 : i32 to index
      %swap3A_150 = arith.constant 0 : index
      %swap3A_151 = tpu.vector_load %arg12[%swap3A_149, %swap3A_150] {strides = array<i32>} : memref<128x16xf32, #tpu.memory_space<vmem>>, vector<1x16xf32>,
      %swap3A_152 = vector.shape_cast %swap3A_151 : vector<1x16xf32> to vector<16xf32>
      %swap3A_153 = vector.shape_cast %broadcast_in_dim3A_0 : vector<16xf32> to vector<1x16xf32>
      tpu.vector_store %arg12[%swap3A_149, %swap3A_150], %swap3A_153 {strides = array<i32>} : memref<128x16xf32, #tpu.memory_space<vmem>>, vector<1x16xf32>,
      %scan3A_154 = arith.constant 0 : i32
      scf.yield %scan3A_154 : i32
    }
    %scan3A_8 = arith.constant 128 : i32
    %scan3A_9 = arith.constant 0 : i32
    %scan3A_10 = arith.constant 0 : i32
    %scan3A_11 = arith.constant 125 : i32
    %scan3A_12 = arith.addi %scan3A_10, %scan3A_11 : i32
    %scan3A_13 = arith.constant 1 : i32
    %scan3A_14 = scf.for %scan3A_128 = %scan3A_10 to %scan3A_12 step %scan3A_13 iter_args(%scan3A_129 = %scan3A_9) -> (i32)  : i32 {
      %swap3A = arith.index_cast %scan3A_128 : i32 to index
      %swap3A_130 = arith.constant 0 : index
      %swap3A_131 = tpu.vector_load %arg10[%swap3A, %swap3A_130] {strides = array<i32>} : memref<125x16xf32, #tpu.memory_space<vmem>>, vector<1x16xf32>,
      %swap3A_132 = vector.shape_cast %swap3A_131 : vector<1x16xf32> to vector<16xf32>
      %swap3A_133 = vector.shape_cast %broadcast_in_dim3A_2 : vector<16xf32> to vector<1x16xf32>
      tpu.vector_store %arg10[%swap3A, %swap3A_130], %swap3A_133 {strides = array<i32>} : memref<125x16xf32, #tpu.memory_space<vmem>>, vector<1x16xf32>,
      %scan3A_134 = arith.constant 0 : i32
      scf.yield %scan3A_134 : i32
    }
    %scan3A_15 = arith.constant 125 : i32
    %mul3A = arith.constant 640 : i32
    %mul3A_16 = arith.muli %arg1, %mul3A : i32
    %add3A = arith.constant 0 : i32
    %add3A_17 = arith.addi %mul3A_16, %add3A : i32
    "tpu.region"() ({
      %run_scoped3A_128 = tpu.sem_alloc : memref<!tpu.dma_semaphore, #tpu.memory_space<semaphore_mem>>
      %dma_start3A_129 = arith.constant 0 : i32
      %dma_start3A_130 = tpu.memref_slice %arg13[%add3A_17, %dma_start3A_129] : memref<10240x64xf32, #tpu.memory_space<vmem_shared>> -> memref<128x64xf32, #tpu.memory_space<vmem_shared>>
      %dma_start3A_131 = arith.constant 0 : i32
      %dma_start3A_132 = tpu.memref_slice %arg13[%add3A_17, %dma_start3A_131] : memref<10240x64xf32, #tpu.memory_space<vmem_shared>> -> memref<128x64xf32, #tpu.memory_space<vmem_shared>>
      tpu.enqueue_dma source(%arg11 : memref<128x64xf32, #tpu.memory_space<vmem>>) target(%dma_start3A_132 : memref<128x64xf32, #tpu.memory_space<vmem_shared>>) target_semaphore(%run_scoped3A_128 : memref<!tpu.dma_semaphore, #tpu.memory_space<semaphore_mem>>)
      %dma_wait3A = arith.constant 0 : i32
      %dma_wait3A_133 = tpu.memref_slice %arg13[%add3A_17, %dma_wait3A] : memref<10240x64xf32, #tpu.memory_space<vmem_shared>> -> memref<128x64xf32, #tpu.memory_space<vmem_shared>>
      %dma_wait3A_134 = arith.constant 0 : i32
      %dma_wait3A_135 = tpu.memref_slice %arg13[%add3A_17, %dma_wait3A_134] : memref<10240x64xf32, #tpu.memory_space<vmem_shared>> -> memref<128x64xf32, #tpu.memory_space<vmem_shared>>
      tpu.wait_dma2 semaphore(%run_scoped3A_128 : memref<!tpu.dma_semaphore, #tpu.memory_space<semaphore_mem>>) src(%arg11 : memref<128x64xf32, #tpu.memory_space<vmem>>) dst(%dma_wait3A_135 : memref<128x64xf32, #tpu.memory_space<vmem_shared>>)
      tpu.yield
    }) : () -> ()
    "tpu.region"() ({
      %run_scoped3A_128 = tpu.sem_alloc : memref<!tpu.dma_semaphore, #tpu.memory_space<semaphore_mem>>
      %dma_start3A_129 = arith.constant 0 : i32
      %dma_start3A_130 = tpu.memref_slice %arg14[%add3A_17, %dma_start3A_129] : memref<10240x16xf32, #tpu.memory_space<vmem_shared>> -> memref<128x16xf32, #tpu.memory_space<vmem_shared>>
      %dma_start3A_131 = arith.constant 0 : i32
      %dma_start3A_132 = tpu.memref_slice %arg14[%add3A_17, %dma_start3A_131] : memref<10240x16xf32, #tpu.memory_space<vmem_shared>> -> memref<128x16xf32, #tpu.memory_space<vmem_shared>>
      tpu.enqueue_dma source(%arg12 : memref<128x16xf32, #tpu.memory_space<vmem>>) target(%dma_start3A_132 : memref<128x16xf32, #tpu.memory_space<vmem_shared>>) target_semaphore(%run_scoped3A_128 : memref<!tpu.dma_semaphore, #tpu.memory_space<semaphore_mem>>)
      %dma_wait3A = arith.constant 0 : i32
      %dma_wait3A_133 = tpu.memref_slice %arg14[%add3A_17, %dma_wait3A] : memref<10240x16xf32, #tpu.memory_space<vmem_shared>> -> memref<128x16xf32, #tpu.memory_space<vmem_shared>>
      %dma_wait3A_134 = arith.constant 0 : i32
      %dma_wait3A_135 = tpu.memref_slice %arg14[%add3A_17, %dma_wait3A_134] : memref<10240x16xf32, #tpu.memory_space<vmem_shared>> -> memref<128x16xf32, #tpu.memory_space<vmem_shared>>
      tpu.wait_dma2 semaphore(%run_scoped3A_128 : memref<!tpu.dma_semaphore, #tpu.memory_space<semaphore_mem>>) src(%arg12 : memref<128x16xf32, #tpu.memory_space<vmem>>) dst(%dma_wait3A_135 : memref<128x16xf32, #tpu.memory_space<vmem_shared>>)
      tpu.yield
    }) : () -> ()
    %mul3A_18 = arith.constant 640 : i32
    %mul3A_19 = arith.muli %arg1, %mul3A_18 : i32
    %add3A_20 = arith.constant 128 : i32
    %add3A_21 = arith.addi %mul3A_19, %add3A_20 : i32
    "tpu.region"() ({
      %run_scoped3A_128 = tpu.sem_alloc : memref<!tpu.dma_semaphore, #tpu.memory_space<semaphore_mem>>
      %dma_start3A_129 = arith.constant 0 : i32
      %dma_start3A_130 = tpu.memref_slice %arg13[%add3A_21, %dma_start3A_129] : memref<10240x64xf32, #tpu.memory_space<vmem_shared>> -> memref<128x64xf32, #tpu.memory_space<vmem_shared>>
      %dma_start3A_131 = arith.constant 0 : i32
      %dma_start3A_132 = tpu.memref_slice %arg13[%add3A_21, %dma_start3A_131] : memref<10240x64xf32, #tpu.memory_space<vmem_shared>> -> memref<128x64xf32, #tpu.memory_space<vmem_shared>>
      tpu.enqueue_dma source(%arg11 : memref<128x64xf32, #tpu.memory_space<vmem>>) target(%dma_start3A_132 : memref<128x64xf32, #tpu.memory_space<vmem_shared>>) target_semaphore(%run_scoped3A_128 : memref<!tpu.dma_semaphore, #tpu.memory_space<semaphore_mem>>)
      %dma_wait3A = arith.constant 0 : i32
      %dma_wait3A_133 = tpu.memref_slice %arg13[%add3A_21, %dma_wait3A] : memref<10240x64xf32, #tpu.memory_space<vmem_shared>> -> memref<128x64xf32, #tpu.memory_space<vmem_shared>>
      %dma_wait3A_134 = arith.constant 0 : i32
      %dma_wait3A_135 = tpu.memref_slice %arg13[%add3A_21, %dma_wait3A_134] : memref<10240x64xf32, #tpu.memory_space<vmem_shared>> -> memref<128x64xf32, #tpu.memory_space<vmem_shared>>
      tpu.wait_dma2 semaphore(%run_scoped3A_128 : memref<!tpu.dma_semaphore, #tpu.memory_space<semaphore_mem>>) src(%arg11 : memref<128x64xf32, #tpu.memory_space<vmem>>) dst(%dma_wait3A_135 : memref<128x64xf32, #tpu.memory_space<vmem_shared>>)
      tpu.yield
    }) : () -> ()
    "tpu.region"() ({
      %run_scoped3A_128 = tpu.sem_alloc : memref<!tpu.dma_semaphore, #tpu.memory_space<semaphore_mem>>
      %dma_start3A_129 = arith.constant 0 : i32
      %dma_start3A_130 = tpu.memref_slice %arg14[%add3A_21, %dma_start3A_129] : memref<10240x16xf32, #tpu.memory_space<vmem_shared>> -> memref<128x16xf32, #tpu.memory_space<vmem_shared>>
      %dma_start3A_131 = arith.constant 0 : i32
      %dma_start3A_132 = tpu.memref_slice %arg14[%add3A_21, %dma_start3A_131] : memref<10240x16xf32, #tpu.memory_space<vmem_shared>> -> memref<128x16xf32, #tpu.memory_space<vmem_shared>>
      tpu.enqueue_dma source(%arg12 : memref<128x16xf32, #tpu.memory_space<vmem>>) target(%dma_start3A_132 : memref<128x16xf32, #tpu.memory_space<vmem_shared>>) target_semaphore(%run_scoped3A_128 : memref<!tpu.dma_semaphore, #tpu.memory_space<semaphore_mem>>)
      %dma_wait3A = arith.constant 0 : i32
      %dma_wait3A_133 = tpu.memref_slice %arg14[%add3A_21, %dma_wait3A] : memref<10240x16xf32, #tpu.memory_space<vmem_shared>> -> memref<128x16xf32, #tpu.memory_space<vmem_shared>>
      %dma_wait3A_134 = arith.constant 0 : i32
      %dma_wait3A_135 = tpu.memref_slice %arg14[%add3A_21, %dma_wait3A_134] : memref<10240x16xf32, #tpu.memory_space<vmem_shared>> -> memref<128x16xf32, #tpu.memory_space<vmem_shared>>
      tpu.wait_dma2 semaphore(%run_scoped3A_128 : memref<!tpu.dma_semaphore, #tpu.memory_space<semaphore_mem>>) src(%arg12 : memref<128x16xf32, #tpu.memory_space<vmem>>) dst(%dma_wait3A_135 : memref<128x16xf32, #tpu.memory_space<vmem_shared>>)
      tpu.yield
    }) : () -> ()
    %mul3A_22 = arith.constant 640 : i32
    %mul3A_23 = arith.muli %arg1, %mul3A_22 : i32
    %add3A_24 = arith.constant 256 : i32
    %add3A_25 = arith.addi %mul3A_23, %add3A_24 : i32
    "tpu.region"() ({
      %run_scoped3A_128 = tpu.sem_alloc : memref<!tpu.dma_semaphore, #tpu.memory_space<semaphore_mem>>
      %dma_start3A_129 = arith.constant 0 : i32
      %dma_start3A_130 = tpu.memref_slice %arg13[%add3A_25, %dma_start3A_129] : memref<10240x64xf32, #tpu.memory_space<vmem_shared>> -> memref<128x64xf32, #tpu.memory_space<vmem_shared>>
      %dma_start3A_131 = arith.constant 0 : i32
      %dma_start3A_132 = tpu.memref_slice %arg13[%add3A_25, %dma_start3A_131] : memref<10240x64xf32, #tpu.memory_space<vmem_shared>> -> memref<128x64xf32, #tpu.memory_space<vmem_shared>>
      tpu.enqueue_dma source(%arg11 : memref<128x64xf32, #tpu.memory_space<vmem>>) target(%dma_start3A_132 : memref<128x64xf32, #tpu.memory_space<vmem_shared>>) target_semaphore(%run_scoped3A_128 : memref<!tpu.dma_semaphore, #tpu.memory_space<semaphore_mem>>)
      %dma_wait3A = arith.constant 0 : i32
      %dma_wait3A_133 = tpu.memref_slice %arg13[%add3A_25, %dma_wait3A] : memref<10240x64xf32, #tpu.memory_space<vmem_shared>> -> memref<128x64xf32, #tpu.memory_space<vmem_shared>>
      %dma_wait3A_134 = arith.constant 0 : i32
      %dma_wait3A_135 = tpu.memref_slice %arg13[%add3A_25, %dma_wait3A_134] : memref<10240x64xf32, #tpu.memory_space<vmem_shared>> -> memref<128x64xf32, #tpu.memory_space<vmem_shared>>
      tpu.wait_dma2 semaphore(%run_scoped3A_128 : memref<!tpu.dma_semaphore, #tpu.memory_space<semaphore_mem>>) src(%arg11 : memref<128x64xf32, #tpu.memory_space<vmem>>) dst(%dma_wait3A_135 : memref<128x64xf32, #tpu.memory_space<vmem_shared>>)
      tpu.yield
    }) : () -> ()
    "tpu.region"() ({
      %run_scoped3A_128 = tpu.sem_alloc : memref<!tpu.dma_semaphore, #tpu.memory_space<semaphore_mem>>
      %dma_start3A_129 = arith.constant 0 : i32
      %dma_start3A_130 = tpu.memref_slice %arg14[%add3A_25, %dma_start3A_129] : memref<10240x16xf32, #tpu.memory_space<vmem_shared>> -> memref<128x16xf32, #tpu.memory_space<vmem_shared>>
      %dma_start3A_131 = arith.constant 0 : i32
      %dma_start3A_132 = tpu.memref_slice %arg14[%add3A_25, %dma_start3A_131] : memref<10240x16xf32, #tpu.memory_space<vmem_shared>> -> memref<128x16xf32, #tpu.memory_space<vmem_shared>>
      tpu.enqueue_dma source(%arg12 : memref<128x16xf32, #tpu.memory_space<vmem>>) target(%dma_start3A_132 : memref<128x16xf32, #tpu.memory_space<vmem_shared>>) target_semaphore(%run_scoped3A_128 : memref<!tpu.dma_semaphore, #tpu.memory_space<semaphore_mem>>)
      %dma_wait3A = arith.constant 0 : i32
      %dma_wait3A_133 = tpu.memref_slice %arg14[%add3A_25, %dma_wait3A] : memref<10240x16xf32, #tpu.memory_space<vmem_shared>> -> memref<128x16xf32, #tpu.memory_space<vmem_shared>>
      %dma_wait3A_134 = arith.constant 0 : i32
      %dma_wait3A_135 = tpu.memref_slice %arg14[%add3A_25, %dma_wait3A_134] : memref<10240x16xf32, #tpu.memory_space<vmem_shared>> -> memref<128x16xf32, #tpu.memory_space<vmem_shared>>
      tpu.wait_dma2 semaphore(%run_scoped3A_128 : memref<!tpu.dma_semaphore, #tpu.memory_space<semaphore_mem>>) src(%arg12 : memref<128x16xf32, #tpu.memory_space<vmem>>) dst(%dma_wait3A_135 : memref<128x16xf32, #tpu.memory_space<vmem_shared>>)
      tpu.yield
    }) : () -> ()
    %mul3A_26 = arith.constant 640 : i32
    %mul3A_27 = arith.muli %arg1, %mul3A_26 : i32
    %add3A_28 = arith.constant 384 : i32
    %add3A_29 = arith.addi %mul3A_27, %add3A_28 : i32
    "tpu.region"() ({
      %run_scoped3A_128 = tpu.sem_alloc : memref<!tpu.dma_semaphore, #tpu.memory_space<semaphore_mem>>
      %dma_start3A_129 = arith.constant 0 : i32
      %dma_start3A_130 = tpu.memref_slice %arg13[%add3A_29, %dma_start3A_129] : memref<10240x64xf32, #tpu.memory_space<vmem_shared>> -> memref<128x64xf32, #tpu.memory_space<vmem_shared>>
      %dma_start3A_131 = arith.constant 0 : i32
      %dma_start3A_132 = tpu.memref_slice %arg13[%add3A_29, %dma_start3A_131] : memref<10240x64xf32, #tpu.memory_space<vmem_shared>> -> memref<128x64xf32, #tpu.memory_space<vmem_shared>>
      tpu.enqueue_dma source(%arg11 : memref<128x64xf32, #tpu.memory_space<vmem>>) target(%dma_start3A_132 : memref<128x64xf32, #tpu.memory_space<vmem_shared>>) target_semaphore(%run_scoped3A_128 : memref<!tpu.dma_semaphore, #tpu.memory_space<semaphore_mem>>)
      %dma_wait3A = arith.constant 0 : i32
      %dma_wait3A_133 = tpu.memref_slice %arg13[%add3A_29, %dma_wait3A] : memref<10240x64xf32, #tpu.memory_space<vmem_shared>> -> memref<128x64xf32, #tpu.memory_space<vmem_shared>>
      %dma_wait3A_134 = arith.constant 0 : i32
      %dma_wait3A_135 = tpu.memref_slice %arg13[%add3A_29, %dma_wait3A_134] : memref<10240x64xf32, #tpu.memory_space<vmem_shared>> -> memref<128x64xf32, #tpu.memory_space<vmem_shared>>
      tpu.wait_dma2 semaphore(%run_scoped3A_128 : memref<!tpu.dma_semaphore, #tpu.memory_space<semaphore_mem>>) src(%arg11 : memref<128x64xf32, #tpu.memory_space<vmem>>) dst(%dma_wait3A_135 : memref<128x64xf32, #tpu.memory_space<vmem_shared>>)
      tpu.yield
    }) : () -> ()
    "tpu.region"() ({
      %run_scoped3A_128 = tpu.sem_alloc : memref<!tpu.dma_semaphore, #tpu.memory_space<semaphore_mem>>
      %dma_start3A_129 = arith.constant 0 : i32
      %dma_start3A_130 = tpu.memref_slice %arg14[%add3A_29, %dma_start3A_129] : memref<10240x16xf32, #tpu.memory_space<vmem_shared>> -> memref<128x16xf32, #tpu.memory_space<vmem_shared>>
      %dma_start3A_131 = arith.constant 0 : i32
      %dma_start3A_132 = tpu.memref_slice %arg14[%add3A_29, %dma_start3A_131] : memref<10240x16xf32, #tpu.memory_space<vmem_shared>> -> memref<128x16xf32, #tpu.memory_space<vmem_shared>>
      tpu.enqueue_dma source(%arg12 : memref<128x16xf32, #tpu.memory_space<vmem>>) target(%dma_start3A_132 : memref<128x16xf32, #tpu.memory_space<vmem_shared>>) target_semaphore(%run_scoped3A_128 : memref<!tpu.dma_semaphore, #tpu.memory_space<semaphore_mem>>)
      %dma_wait3A = arith.constant 0 : i32
      %dma_wait3A_133 = tpu.memref_slice %arg14[%add3A_29, %dma_wait3A] : memref<10240x16xf32, #tpu.memory_space<vmem_shared>> -> memref<128x16xf32, #tpu.memory_space<vmem_shared>>
      %dma_wait3A_134 = arith.constant 0 : i32
      %dma_wait3A_135 = tpu.memref_slice %arg14[%add3A_29, %dma_wait3A_134] : memref<10240x16xf32, #tpu.memory_space<vmem_shared>> -> memref<128x16xf32, #tpu.memory_space<vmem_shared>>
      tpu.wait_dma2 semaphore(%run_scoped3A_128 : memref<!tpu.dma_semaphore, #tpu.memory_space<semaphore_mem>>) src(%arg12 : memref<128x16xf32, #tpu.memory_space<vmem>>) dst(%dma_wait3A_135 : memref<128x16xf32, #tpu.memory_space<vmem_shared>>)
      tpu.yield
    }) : () -> ()
    %mul3A_30 = arith.constant 640 : i32
    %mul3A_31 = arith.muli %arg1, %mul3A_30 : i32
    %add3A_32 = arith.constant 512 : i32
    %add3A_33 = arith.addi %mul3A_31, %add3A_32 : i32
    "tpu.region"() ({
      %run_scoped3A_128 = tpu.sem_alloc : memref<!tpu.dma_semaphore, #tpu.memory_space<semaphore_mem>>
      %dma_start3A_129 = arith.constant 0 : i32
      %dma_start3A_130 = tpu.memref_slice %arg13[%add3A_33, %dma_start3A_129] : memref<10240x64xf32, #tpu.memory_space<vmem_shared>> -> memref<128x64xf32, #tpu.memory_space<vmem_shared>>
      %dma_start3A_131 = arith.constant 0 : i32
      %dma_start3A_132 = tpu.memref_slice %arg13[%add3A_33, %dma_start3A_131] : memref<10240x64xf32, #tpu.memory_space<vmem_shared>> -> memref<128x64xf32, #tpu.memory_space<vmem_shared>>
      tpu.enqueue_dma source(%arg11 : memref<128x64xf32, #tpu.memory_space<vmem>>) target(%dma_start3A_132 : memref<128x64xf32, #tpu.memory_space<vmem_shared>>) target_semaphore(%run_scoped3A_128 : memref<!tpu.dma_semaphore, #tpu.memory_space<semaphore_mem>>)
      %dma_wait3A = arith.constant 0 : i32
      %dma_wait3A_133 = tpu.memref_slice %arg13[%add3A_33, %dma_wait3A] : memref<10240x64xf32, #tpu.memory_space<vmem_shared>> -> memref<128x64xf32, #tpu.memory_space<vmem_shared>>
      %dma_wait3A_134 = arith.constant 0 : i32
      %dma_wait3A_135 = tpu.memref_slice %arg13[%add3A_33, %dma_wait3A_134] : memref<10240x64xf32, #tpu.memory_space<vmem_shared>> -> memref<128x64xf32, #tpu.memory_space<vmem_shared>>
      tpu.wait_dma2 semaphore(%run_scoped3A_128 : memref<!tpu.dma_semaphore, #tpu.memory_space<semaphore_mem>>) src(%arg11 : memref<128x64xf32, #tpu.memory_space<vmem>>) dst(%dma_wait3A_135 : memref<128x64xf32, #tpu.memory_space<vmem_shared>>)
      tpu.yield
    }) : () -> ()
    "tpu.region"() ({
      %run_scoped3A_128 = tpu.sem_alloc : memref<!tpu.dma_semaphore, #tpu.memory_space<semaphore_mem>>
      %dma_start3A_129 = arith.constant 0 : i32
      %dma_start3A_130 = tpu.memref_slice %arg14[%add3A_33, %dma_start3A_129] : memref<10240x16xf32, #tpu.memory_space<vmem_shared>> -> memref<128x16xf32, #tpu.memory_space<vmem_shared>>
      %dma_start3A_131 = arith.constant 0 : i32
      %dma_start3A_132 = tpu.memref_slice %arg14[%add3A_33, %dma_start3A_131] : memref<10240x16xf32, #tpu.memory_space<vmem_shared>> -> memref<128x16xf32, #tpu.memory_space<vmem_shared>>
      tpu.enqueue_dma source(%arg12 : memref<128x16xf32, #tpu.memory_space<vmem>>) target(%dma_start3A_132 : memref<128x16xf32, #tpu.memory_space<vmem_shared>>) target_semaphore(%run_scoped3A_128 : memref<!tpu.dma_semaphore, #tpu.memory_space<semaphore_mem>>)
      %dma_wait3A = arith.constant 0 : i32
      %dma_wait3A_133 = tpu.memref_slice %arg14[%add3A_33, %dma_wait3A] : memref<10240x16xf32, #tpu.memory_space<vmem_shared>> -> memref<128x16xf32, #tpu.memory_space<vmem_shared>>
      %dma_wait3A_134 = arith.constant 0 : i32
      %dma_wait3A_135 = tpu.memref_slice %arg14[%add3A_33, %dma_wait3A_134] : memref<10240x16xf32, #tpu.memory_space<vmem_shared>> -> memref<128x16xf32, #tpu.memory_space<vmem_shared>>
      tpu.wait_dma2 semaphore(%run_scoped3A_128 : memref<!tpu.dma_semaphore, #tpu.memory_space<semaphore_mem>>) src(%arg12 : memref<128x16xf32, #tpu.memory_space<vmem>>) dst(%dma_wait3A_135 : memref<128x16xf32, #tpu.memory_space<vmem_shared>>)
      tpu.yield
    }) : () -> ()
    %barrier3A = arith.constant 0 : index
    tpu.barrier barrier_id(%barrier3A)
    %mul3A_34 = arith.constant 2 : i32
    %mul3A_35 = arith.muli %arg1, %mul3A_34 : i32
    %add3A_36 = arith.constant 0 : i32
    %add3A_37 = arith.addi %mul3A_35, %add3A_36 : i32
    %run_scoped3A = arith.constant 0 : i32
    "tpu.region"() ({
      %run_scoped3A_128 = tpu.sem_alloc : memref<!tpu.dma_semaphore, #tpu.memory_space<semaphore_mem>>
      %dma_start3A_129 = arith.constant 0 : i32
      %dma_start3A_130 = arith.constant 0 : i32
      %dma_start3A_131 = arith.constant 0 : i32
      %dma_start3A_132 = tpu.memref_slice %arg3[%run_scoped3A, %dma_start3A_129, %dma_start3A_130, %dma_start3A_131] : memref<2x32x80x125xi32, #tpu.memory_space<hbm>> -> memref<1x32x80x125xi32, #tpu.memory_space<hbm>>
      %dma_start3A_133 = tpu.memref_squeeze %dma_start3A_132 : memref<1x32x80x125xi32, #tpu.memory_space<hbm>> -> memref<32x80x125xi32, #tpu.memory_space<hbm>>
      %dma_start3A_134 = arith.constant 0 : i32
      %dma_start3A_135 = arith.constant 0 : i32
      %dma_start3A_136 = tpu.memref_slice %dma_start3A_133[%add3A_37, %dma_start3A_134, %dma_start3A_135] : memref<32x80x125xi32, #tpu.memory_space<hbm>> -> memref<1x80x125xi32, #tpu.memory_space<hbm>>
      %dma_start3A_137 = tpu.memref_squeeze %dma_start3A_136 : memref<1x80x125xi32, #tpu.memory_space<hbm>> -> memref<80x125xi32, #tpu.memory_space<hbm>>
      %dma_start3A_138 = arith.constant 0 : i32
      %dma_start3A_139 = arith.constant 0 : i32
      %dma_start3A_140 = arith.constant 0 : i32
      %dma_start3A_141 = tpu.memref_slice %arg3[%run_scoped3A, %dma_start3A_138, %dma_start3A_139, %dma_start3A_140] : memref<2x32x80x125xi32, #tpu.memory_space<hbm>> -> memref<1x32x80x125xi32, #tpu.memory_space<hbm>>
      %dma_start3A_142 = tpu.memref_squeeze %dma_start3A_141 : memref<1x32x80x125xi32, #tpu.memory_space<hbm>> -> memref<32x80x125xi32, #tpu.memory_space<hbm>>
      %dma_start3A_143 = arith.constant 0 : i32
      %dma_start3A_144 = arith.constant 0 : i32
      %dma_start3A_145 = tpu.memref_slice %dma_start3A_142[%add3A_37, %dma_start3A_143, %dma_start3A_144] : memref<32x80x125xi32, #tpu.memory_space<hbm>> -> memref<1x80x125xi32, #tpu.memory_space<hbm>>
      %dma_start3A_146 = tpu.memref_squeeze %dma_start3A_145 : memref<1x80x125xi32, #tpu.memory_space<hbm>> -> memref<80x125xi32, #tpu.memory_space<hbm>>
      tpu.enqueue_dma source(%dma_start3A_146 : memref<80x125xi32, #tpu.memory_space<hbm>>) target(%arg6 : memref<80x125xi32, #tpu.memory_space<vmem>>) target_semaphore(%run_scoped3A_128 : memref<!tpu.dma_semaphore, #tpu.memory_space<semaphore_mem>>)
      %dma_wait3A = arith.constant 0 : i32
      %dma_wait3A_147 = arith.constant 0 : i32
      %dma_wait3A_148 = arith.constant 0 : i32
      %dma_wait3A_149 = tpu.memref_slice %arg3[%run_scoped3A, %dma_wait3A, %dma_wait3A_147, %dma_wait3A_148] : memref<2x32x80x125xi32, #tpu.memory_space<hbm>> -> memref<1x32x80x125xi32, #tpu.memory_space<hbm>>
      %dma_wait3A_150 = tpu.memref_squeeze %dma_wait3A_149 : memref<1x32x80x125xi32, #tpu.memory_space<hbm>> -> memref<32x80x125xi32, #tpu.memory_space<hbm>>
      %dma_wait3A_151 = arith.constant 0 : i32
      %dma_wait3A_152 = arith.constant 0 : i32
      %dma_wait3A_153 = tpu.memref_slice %dma_wait3A_150[%add3A_37, %dma_wait3A_151, %dma_wait3A_152] : memref<32x80x125xi32, #tpu.memory_space<hbm>> -> memref<1x80x125xi32, #tpu.memory_space<hbm>>
      %dma_wait3A_154 = tpu.memref_squeeze %dma_wait3A_153 : memref<1x80x125xi32, #tpu.memory_space<hbm>> -> memref<80x125xi32, #tpu.memory_space<hbm>>
      %dma_wait3A_155 = arith.constant 0 : i32
      %dma_wait3A_156 = arith.constant 0 : i32
      %dma_wait3A_157 = arith.constant 0 : i32
      %dma_wait3A_158 = tpu.memref_slice %arg3[%run_scoped3A, %dma_wait3A_155, %dma_wait3A_156, %dma_wait3A_157] : memref<2x32x80x125xi32, #tpu.memory_space<hbm>> -> memref<1x32x80x125xi32, #tpu.memory_space<hbm>>
      %dma_wait3A_159 = tpu.memref_squeeze %dma_wait3A_158 : memref<1x32x80x125xi32, #tpu.memory_space<hbm>> -> memref<32x80x125xi32, #tpu.memory_space<hbm>>
      %dma_wait3A_160 = arith.constant 0 : i32
      %dma_wait3A_161 = arith.constant 0 : i32
      %dma_wait3A_162 = tpu.memref_slice %dma_wait3A_159[%add3A_37, %dma_wait3A_160, %dma_wait3A_161] : memref<32x80x125xi32, #tpu.memory_space<hbm>> -> memref<1x80x125xi32, #tpu.memory_space<hbm>>
      %dma_wait3A_163 = tpu.memref_squeeze %dma_wait3A_162 : memref<1x80x125xi32, #tpu.memory_space<hbm>> -> memref<80x125xi32, #tpu.memory_space<hbm>>
      tpu.wait_dma2 semaphore(%run_scoped3A_128 : memref<!tpu.dma_semaphore, #tpu.memory_space<semaphore_mem>>) src(%dma_wait3A_163 : memref<80x125xi32, #tpu.memory_space<hbm>>) dst(%arg6 : memref<80x125xi32, #tpu.memory_space<vmem>>)
      tpu.yield
    }) : () -> ()
    %run_scoped3A_38 = arith.constant 1 : i32
    "tpu.region"() ({
      %run_scoped3A_128 = tpu.sem_alloc : memref<!tpu.dma_semaphore, #tpu.memory_space<semaphore_mem>>
      %dma_start3A_129 = arith.constant 0 : i32
      %dma_start3A_130 = arith.constant 0 : i32
      %dma_start3A_131 = arith.constant 0 : i32
      %dma_start3A_132 = tpu.memref_slice %arg3[%run_scoped3A_38, %dma_start3A_129, %dma_start3A_130, %dma_start3A_131] : memref<2x32x80x125xi32, #tpu.memory_space<hbm>> -> memref<1x32x80x125xi32, #tpu.memory_space<hbm>>
      %dma_start3A_133 = tpu.memref_squeeze %dma_start3A_132 : memref<1x32x80x125xi32, #tpu.memory_space<hbm>> -> memref<32x80x125xi32, #tpu.memory_space<hbm>>
      %dma_start3A_134 = arith.constant 0 : i32
      %dma_start3A_135 = arith.constant 0 : i32
      %dma_start3A_136 = tpu.memref_slice %dma_start3A_133[%add3A_37, %dma_start3A_134, %dma_start3A_135] : memref<32x80x125xi32, #tpu.memory_space<hbm>> -> memref<1x80x125xi32, #tpu.memory_space<hbm>>
      %dma_start3A_137 = tpu.memref_squeeze %dma_start3A_136 : memref<1x80x125xi32, #tpu.memory_space<hbm>> -> memref<80x125xi32, #tpu.memory_space<hbm>>
      %dma_start3A_138 = arith.constant 0 : i32
      %dma_start3A_139 = arith.constant 0 : i32
      %dma_start3A_140 = arith.constant 0 : i32
      %dma_start3A_141 = tpu.memref_slice %arg3[%run_scoped3A_38, %dma_start3A_138, %dma_start3A_139, %dma_start3A_140] : memref<2x32x80x125xi32, #tpu.memory_space<hbm>> -> memref<1x32x80x125xi32, #tpu.memory_space<hbm>>
      %dma_start3A_142 = tpu.memref_squeeze %dma_start3A_141 : memref<1x32x80x125xi32, #tpu.memory_space<hbm>> -> memref<32x80x125xi32, #tpu.memory_space<hbm>>
      %dma_start3A_143 = arith.constant 0 : i32
      %dma_start3A_144 = arith.constant 0 : i32
      %dma_start3A_145 = tpu.memref_slice %dma_start3A_142[%add3A_37, %dma_start3A_143, %dma_start3A_144] : memref<32x80x125xi32, #tpu.memory_space<hbm>> -> memref<1x80x125xi32, #tpu.memory_space<hbm>>
      %dma_start3A_146 = tpu.memref_squeeze %dma_start3A_145 : memref<1x80x125xi32, #tpu.memory_space<hbm>> -> memref<80x125xi32, #tpu.memory_space<hbm>>
      tpu.enqueue_dma source(%dma_start3A_146 : memref<80x125xi32, #tpu.memory_space<hbm>>) target(%arg7 : memref<80x125xi32, #tpu.memory_space<vmem>>) target_semaphore(%run_scoped3A_128 : memref<!tpu.dma_semaphore, #tpu.memory_space<semaphore_mem>>)
      %dma_wait3A = arith.constant 0 : i32
      %dma_wait3A_147 = arith.constant 0 : i32
      %dma_wait3A_148 = arith.constant 0 : i32
      %dma_wait3A_149 = tpu.memref_slice %arg3[%run_scoped3A_38, %dma_wait3A, %dma_wait3A_147, %dma_wait3A_148] : memref<2x32x80x125xi32, #tpu.memory_space<hbm>> -> memref<1x32x80x125xi32, #tpu.memory_space<hbm>>
      %dma_wait3A_150 = tpu.memref_squeeze %dma_wait3A_149 : memref<1x32x80x125xi32, #tpu.memory_space<hbm>> -> memref<32x80x125xi32, #tpu.memory_space<hbm>>
      %dma_wait3A_151 = arith.constant 0 : i32
      %dma_wait3A_152 = arith.constant 0 : i32
      %dma_wait3A_153 = tpu.memref_slice %dma_wait3A_150[%add3A_37, %dma_wait3A_151, %dma_wait3A_152] : memref<32x80x125xi32, #tpu.memory_space<hbm>> -> memref<1x80x125xi32, #tpu.memory_space<hbm>>
      %dma_wait3A_154 = tpu.memref_squeeze %dma_wait3A_153 : memref<1x80x125xi32, #tpu.memory_space<hbm>> -> memref<80x125xi32, #tpu.memory_space<hbm>>
      %dma_wait3A_155 = arith.constant 0 : i32
      %dma_wait3A_156 = arith.constant 0 : i32
      %dma_wait3A_157 = arith.constant 0 : i32
      %dma_wait3A_158 = tpu.memref_slice %arg3[%run_scoped3A_38, %dma_wait3A_155, %dma_wait3A_156, %dma_wait3A_157] : memref<2x32x80x125xi32, #tpu.memory_space<hbm>> -> memref<1x32x80x125xi32, #tpu.memory_space<hbm>>
      %dma_wait3A_159 = tpu.memref_squeeze %dma_wait3A_158 : memref<1x32x80x125xi32, #tpu.memory_space<hbm>> -> memref<32x80x125xi32, #tpu.memory_space<hbm>>
      %dma_wait3A_160 = arith.constant 0 : i32
      %dma_wait3A_161 = arith.constant 0 : i32
      %dma_wait3A_162 = tpu.memref_slice %dma_wait3A_159[%add3A_37, %dma_wait3A_160, %dma_wait3A_161] : memref<32x80x125xi32, #tpu.memory_space<hbm>> -> memref<1x80x125xi32, #tpu.memory_space<hbm>>
      %dma_wait3A_163 = tpu.memref_squeeze %dma_wait3A_162 : memref<1x80x125xi32, #tpu.memory_space<hbm>> -> memref<80x125xi32, #tpu.memory_space<hbm>>
      tpu.wait_dma2 semaphore(%run_scoped3A_128 : memref<!tpu.dma_semaphore, #tpu.memory_space<semaphore_mem>>) src(%dma_wait3A_163 : memref<80x125xi32, #tpu.memory_space<hbm>>) dst(%arg7 : memref<80x125xi32, #tpu.memory_space<vmem>>)
      tpu.yield
    }) : () -> ()
    %dma_start3A = arith.constant 0 : i32
    %dma_start3A_39 = arith.constant 0 : i32
    %dma_start3A_40 = tpu.memref_slice %arg6[%dma_start3A, %dma_start3A_39] : memref<80x125xi32, #tpu.memory_space<vmem>> -> memref<1x125xi32, #tpu.memory_space<vmem>>
    %dma_start3A_41 = tpu.memref_squeeze %dma_start3A_40 : memref<1x125xi32, #tpu.memory_space<vmem>> -> memref<125xi32, #tpu.memory_space<vmem>>
    %dma_start3A_42 = arith.constant 0 : i32
    %dma_start3A_43 = arith.constant 0 : i32
    %dma_start3A_44 = tpu.memref_slice %arg2[%arg0, %dma_start3A_42, %dma_start3A_43] : memref<2x10000x64xf32, #tpu.memory_space<hbm>> -> memref<1x10000x64xf32, #tpu.memory_space<hbm>>
    %dma_start3A_45 = tpu.memref_squeeze %dma_start3A_44 : memref<1x10000x64xf32, #tpu.memory_space<hbm>> -> memref<10000x64xf32, #tpu.memory_space<hbm>>
    %dma_start3A_46 = arith.constant 0 : i32
    %dma_start3A_47 = arith.constant 0 : i32
    %dma_start3A_48 = tpu.memref_slice %dma_start3A_45[%dma_start3A_46, %dma_start3A_47] : memref<10000x64xf32, #tpu.memory_space<hbm>> -> memref<10000x64xf32, #tpu.memory_space<hbm>>
    tpu.enqueue_indirect_dma source(%dma_start3A_48 : memref<10000x64xf32, #tpu.memory_space<hbm>>) target(%arg8 : memref<125x64xf32, #tpu.memory_space<vmem>>) offsets(%dma_start3A_41 : memref<125xi32, #tpu.memory_space<vmem>>) semaphore(%arg15 : memref<!tpu.dma_semaphore, #tpu.memory_space<semaphore_mem>>)
    %scan3A_49 = arith.constant 0 : i32
    %scan3A_50 = arith.constant 0 : i32
    %scan3A_51 = arith.constant 40 : i32
    %scan3A_52 = arith.addi %scan3A_50, %scan3A_51 : i32
    %scan3A_53 = arith.constant 1 : i32
    %scan3A_54 = scf.for %scan3A_128 = %scan3A_50 to %scan3A_52 step %scan3A_53 iter_args(%scan3A_129 = %scan3A_49) -> (i32)  : i32 {
      %mul3A_130 = arith.constant 2 : i32
      %mul3A_131 = arith.muli %mul3A_130, %scan3A_128 : i32
      %add3A_132 = arith.constant 1 : i32
      %add3A_133 = arith.addi %mul3A_131, %add3A_132 : i32
      %dma_start3A_134 = arith.constant 0 : i32
      %dma_start3A_135 = tpu.memref_slice %arg6[%add3A_133, %dma_start3A_134] : memref<80x125xi32, #tpu.memory_space<vmem>> -> memref<1x125xi32, #tpu.memory_space<vmem>>
      %dma_start3A_136 = tpu.memref_squeeze %dma_start3A_135 : memref<1x125xi32, #tpu.memory_space<vmem>> -> memref<125xi32, #tpu.memory_space<vmem>>
      %dma_start3A_137 = arith.constant 0 : i32
      %dma_start3A_138 = arith.constant 0 : i32
      %dma_start3A_139 = tpu.memref_slice %arg2[%arg0, %dma_start3A_137, %dma_start3A_138] : memref<2x10000x64xf32, #tpu.memory_space<hbm>> -> memref<1x10000x64xf32, #tpu.memory_space<hbm>>
      %dma_start3A_140 = tpu.memref_squeeze %dma_start3A_139 : memref<1x10000x64xf32, #tpu.memory_space<hbm>> -> memref<10000x64xf32, #tpu.memory_space<hbm>>
      %dma_start3A_141 = arith.constant 0 : i32
      %dma_start3A_142 = arith.constant 0 : i32
      %dma_start3A_143 = tpu.memref_slice %dma_start3A_140[%dma_start3A_141, %dma_start3A_142] : memref<10000x64xf32, #tpu.memory_space<hbm>> -> memref<10000x64xf32, #tpu.memory_space<hbm>>
      tpu.enqueue_indirect_dma source(%dma_start3A_143 : memref<10000x64xf32, #tpu.memory_space<hbm>>) target(%arg9 : memref<125x64xf32, #tpu.memory_space<vmem>>) offsets(%dma_start3A_136 : memref<125xi32, #tpu.memory_space<vmem>>) semaphore(%arg16 : memref<!tpu.dma_semaphore, #tpu.memory_space<semaphore_mem>>)
      %dma_wait3A = arith.constant 0 : i32
      %dma_wait3A_144 = tpu.memref_slice %arg6[%mul3A_131, %dma_wait3A] : memref<80x125xi32, #tpu.memory_space<vmem>> -> memref<1x125xi32, #tpu.memory_space<vmem>>
      %dma_wait3A_145 = tpu.memref_squeeze %dma_wait3A_144 : memref<1x125xi32, #tpu.memory_space<vmem>> -> memref<125xi32, #tpu.memory_space<vmem>>
      %dma_wait3A_146 = arith.constant 0 : i32
      %dma_wait3A_147 = arith.constant 0 : i32
      %dma_wait3A_148 = tpu.memref_slice %arg2[%arg0, %dma_wait3A_146, %dma_wait3A_147] : memref<2x10000x64xf32, #tpu.memory_space<hbm>> -> memref<1x10000x64xf32, #tpu.memory_space<hbm>>
      %dma_wait3A_149 = tpu.memref_squeeze %dma_wait3A_148 : memref<1x10000x64xf32, #tpu.memory_space<hbm>> -> memref<10000x64xf32, #tpu.memory_space<hbm>>
      %dma_wait3A_150 = arith.constant 0 : i32
      %dma_wait3A_151 = arith.constant 0 : i32
      %dma_wait3A_152 = tpu.memref_slice %dma_wait3A_149[%dma_wait3A_150, %dma_wait3A_151] : memref<10000x64xf32, #tpu.memory_space<hbm>> -> memref<10000x64xf32, #tpu.memory_space<hbm>>
      tpu.wait_indirect_dma semaphore(%arg15 : memref<!tpu.dma_semaphore, #tpu.memory_space<semaphore_mem>>) src(%dma_wait3A_152 : memref<10000x64xf32, #tpu.memory_space<hbm>>) dst(%arg8 : memref<125x64xf32, #tpu.memory_space<vmem>>)
      "tpu.region"() ({
        %run_scoped3A_182 = tpu.sem_alloc : memref<!tpu.dma_semaphore, #tpu.memory_space<semaphore_mem>>
        %dma_start3A_183 = arith.constant 0 : i32
        %dma_start3A_184 = tpu.memref_slice %arg7[%mul3A_131, %dma_start3A_183] : memref<80x125xi32, #tpu.memory_space<vmem>> -> memref<1x125xi32, #tpu.memory_space<vmem>>
        %dma_start3A_185 = tpu.memref_squeeze %dma_start3A_184 : memref<1x125xi32, #tpu.memory_space<vmem>> -> memref<125xi32, #tpu.memory_space<vmem>>
        %dma_start3A_186 = arith.constant 0 : i32
        %dma_start3A_187 = arith.constant 0 : i32
        %dma_start3A_188 = tpu.memref_slice %arg13[%dma_start3A_186, %dma_start3A_187] : memref<10240x64xf32, #tpu.memory_space<vmem_shared>> -> memref<10240x64xf32, #tpu.memory_space<vmem_shared>>
        tpu.enqueue_indirect_dma source(%arg8 : memref<125x64xf32, #tpu.memory_space<vmem>>) target(%dma_start3A_188 : memref<10240x64xf32, #tpu.memory_space<vmem_shared>>) offsets(%dma_start3A_185 : memref<125xi32, #tpu.memory_space<vmem>>) semaphore(%run_scoped3A_182 : memref<!tpu.dma_semaphore, #tpu.memory_space<semaphore_mem>>) {add = true}
        %dma_wait3A_189 = arith.constant 0 : i32
        %dma_wait3A_190 = tpu.memref_slice %arg7[%mul3A_131, %dma_wait3A_189] : memref<80x125xi32, #tpu.memory_space<vmem>> -> memref<1x125xi32, #tpu.memory_space<vmem>>
        %dma_wait3A_191 = tpu.memref_squeeze %dma_wait3A_190 : memref<1x125xi32, #tpu.memory_space<vmem>> -> memref<125xi32, #tpu.memory_space<vmem>>
        %dma_wait3A_192 = arith.constant 0 : i32
        %dma_wait3A_193 = arith.constant 0 : i32
        %dma_wait3A_194 = tpu.memref_slice %arg13[%dma_wait3A_192, %dma_wait3A_193] : memref<10240x64xf32, #tpu.memory_space<vmem_shared>> -> memref<10240x64xf32, #tpu.memory_space<vmem_shared>>
        tpu.wait_indirect_dma semaphore(%run_scoped3A_182 : memref<!tpu.dma_semaphore, #tpu.memory_space<semaphore_mem>>) src(%arg8 : memref<125x64xf32, #tpu.memory_space<vmem>>) dst(%dma_wait3A_194 : memref<10240x64xf32, #tpu.memory_space<vmem_shared>>)
        tpu.yield
      }) : () -> ()
      %eq3A_153 = arith.constant 0 : i32
      %eq3A_154 = arith.cmpi eq, %arg0, %eq3A_153 : i32
      %convert_element_type3A_155 = arith.extui %eq3A_154 : i1 to i32
      %cond3A_156 = arith.constant 0 : i32
      %cond3A_157 = arith.cmpi ne, %convert_element_type3A_155, %cond3A_156 : i32
      scf.if %cond3A_157 {
        %dma_start3A_182 = arith.constant 0 : i32
        %dma_start3A_183 = tpu.memref_slice %arg7[%mul3A_131, %dma_start3A_182] : memref<80x125xi32, #tpu.memory_space<vmem>> -> memref<1x125xi32, #tpu.memory_space<vmem>>
        %dma_start3A_184 = tpu.memref_squeeze %dma_start3A_183 : memref<1x125xi32, #tpu.memory_space<vmem>> -> memref<125xi32, #tpu.memory_space<vmem>>
        %dma_start3A_185 = arith.constant 0 : i32
        %dma_start3A_186 = arith.constant 0 : i32
        %dma_start3A_187 = tpu.memref_slice %arg14[%dma_start3A_185, %dma_start3A_186] : memref<10240x16xf32, #tpu.memory_space<vmem_shared>> -> memref<10240x16xf32, #tpu.memory_space<vmem_shared>>
        tpu.enqueue_indirect_dma source(%arg10 : memref<125x16xf32, #tpu.memory_space<vmem>>) target(%dma_start3A_187 : memref<10240x16xf32, #tpu.memory_space<vmem_shared>>) offsets(%dma_start3A_184 : memref<125xi32, #tpu.memory_space<vmem>>) semaphore(%arg17 : memref<!tpu.dma_semaphore, #tpu.memory_space<semaphore_mem>>) {add = true}
      } else {
      }
      %lt3A = arith.constant 39 : i32
      %lt3A_158 = arith.cmpi slt, %scan3A_128, %lt3A : i32
      %convert_element_type3A_159 = arith.extui %lt3A_158 : i1 to i32
      %cond3A_160 = arith.constant 0 : i32
      %cond3A_161 = arith.cmpi ne, %convert_element_type3A_159, %cond3A_160 : i32
      scf.if %cond3A_161 {
        %add3A_182 = arith.constant 2 : i32
        %add3A_183 = arith.addi %mul3A_131, %add3A_182 : i32
        %dma_start3A_184 = arith.constant 0 : i32
        %dma_start3A_185 = tpu.memref_slice %arg6[%add3A_183, %dma_start3A_184] : memref<80x125xi32, #tpu.memory_space<vmem>> -> memref<1x125xi32, #tpu.memory_space<vmem>>
        %dma_start3A_186 = tpu.memref_squeeze %dma_start3A_185 : memref<1x125xi32, #tpu.memory_space<vmem>> -> memref<125xi32, #tpu.memory_space<vmem>>
        %dma_start3A_187 = arith.constant 0 : i32
        %dma_start3A_188 = arith.constant 0 : i32
        %dma_start3A_189 = tpu.memref_slice %arg2[%arg0, %dma_start3A_187, %dma_start3A_188] : memref<2x10000x64xf32, #tpu.memory_space<hbm>> -> memref<1x10000x64xf32, #tpu.memory_space<hbm>>
        %dma_start3A_190 = tpu.memref_squeeze %dma_start3A_189 : memref<1x10000x64xf32, #tpu.memory_space<hbm>> -> memref<10000x64xf32, #tpu.memory_space<hbm>>
        %dma_start3A_191 = arith.constant 0 : i32
        %dma_start3A_192 = arith.constant 0 : i32
        %dma_start3A_193 = tpu.memref_slice %dma_start3A_190[%dma_start3A_191, %dma_start3A_192] : memref<10000x64xf32, #tpu.memory_space<hbm>> -> memref<10000x64xf32, #tpu.memory_space<hbm>>
        tpu.enqueue_indirect_dma source(%dma_start3A_193 : memref<10000x64xf32, #tpu.memory_space<hbm>>) target(%arg8 : memref<125x64xf32, #tpu.memory_space<vmem>>) offsets(%dma_start3A_186 : memref<125xi32, #tpu.memory_space<vmem>>) semaphore(%arg15 : memref<!tpu.dma_semaphore, #tpu.memory_space<semaphore_mem>>)
      } else {
      }
      %add3A_162 = arith.constant 1 : i32
      %add3A_163 = arith.addi %mul3A_131, %add3A_162 : i32
      %dma_wait3A_164 = arith.constant 0 : i32
      %dma_wait3A_165 = tpu.memref_slice %arg6[%add3A_163, %dma_wait3A_164] : memref<80x125xi32, #tpu.memory_space<vmem>> -> memref<1x125xi32, #tpu.memory_space<vmem>>
      %dma_wait3A_166 = tpu.memref_squeeze %dma_wait3A_165 : memref<1x125xi32, #tpu.memory_space<vmem>> -> memref<125xi32, #tpu.memory_space<vmem>>
      %dma_wait3A_167 = arith.constant 0 : i32
      %dma_wait3A_168 = arith.constant 0 : i32
      %dma_wait3A_169 = tpu.memref_slice %arg2[%arg0, %dma_wait3A_167, %dma_wait3A_168] : memref<2x10000x64xf32, #tpu.memory_space<hbm>> -> memref<1x10000x64xf32, #tpu.memory_space<hbm>>
      %dma_wait3A_170 = tpu.memref_squeeze %dma_wait3A_169 : memref<1x10000x64xf32, #tpu.memory_space<hbm>> -> memref<10000x64xf32, #tpu.memory_space<hbm>>
      %dma_wait3A_171 = arith.constant 0 : i32
      %dma_wait3A_172 = arith.constant 0 : i32
      %dma_wait3A_173 = tpu.memref_slice %dma_wait3A_170[%dma_wait3A_171, %dma_wait3A_172] : memref<10000x64xf32, #tpu.memory_space<hbm>> -> memref<10000x64xf32, #tpu.memory_space<hbm>>
      tpu.wait_indirect_dma semaphore(%arg16 : memref<!tpu.dma_semaphore, #tpu.memory_space<semaphore_mem>>) src(%dma_wait3A_173 : memref<10000x64xf32, #tpu.memory_space<hbm>>) dst(%arg9 : memref<125x64xf32, #tpu.memory_space<vmem>>)
      %add3A_174 = arith.constant 1 : i32
      %add3A_175 = arith.addi %mul3A_131, %add3A_174 : i32
      "tpu.region"() ({
        %run_scoped3A_182 = tpu.sem_alloc : memref<!tpu.dma_semaphore, #tpu.memory_space<semaphore_mem>>
        %dma_start3A_183 = arith.constant 0 : i32
        %dma_start3A_184 = tpu.memref_slice %arg7[%add3A_175, %dma_start3A_183] : memref<80x125xi32, #tpu.memory_space<vmem>> -> memref<1x125xi32, #tpu.memory_space<vmem>>
        %dma_start3A_185 = tpu.memref_squeeze %dma_start3A_184 : memref<1x125xi32, #tpu.memory_space<vmem>> -> memref<125xi32, #tpu.memory_space<vmem>>
        %dma_start3A_186 = arith.constant 0 : i32
        %dma_start3A_187 = arith.constant 0 : i32
        %dma_start3A_188 = tpu.memref_slice %arg13[%dma_start3A_186, %dma_start3A_187] : memref<10240x64xf32, #tpu.memory_space<vmem_shared>> -> memref<10240x64xf32, #tpu.memory_space<vmem_shared>>
        tpu.enqueue_indirect_dma source(%arg9 : memref<125x64xf32, #tpu.memory_space<vmem>>) target(%dma_start3A_188 : memref<10240x64xf32, #tpu.memory_space<vmem_shared>>) offsets(%dma_start3A_185 : memref<125xi32, #tpu.memory_space<vmem>>) semaphore(%run_scoped3A_182 : memref<!tpu.dma_semaphore, #tpu.memory_space<semaphore_mem>>) {add = true}
        %dma_wait3A_189 = arith.constant 0 : i32
        %dma_wait3A_190 = tpu.memref_slice %arg7[%add3A_175, %dma_wait3A_189] : memref<80x125xi32, #tpu.memory_space<vmem>> -> memref<1x125xi32, #tpu.memory_space<vmem>>
        %dma_wait3A_191 = tpu.memref_squeeze %dma_wait3A_190 : memref<1x125xi32, #tpu.memory_space<vmem>> -> memref<125xi32, #tpu.memory_space<vmem>>
        %dma_wait3A_192 = arith.constant 0 : i32
        %dma_wait3A_193 = arith.constant 0 : i32
        %dma_wait3A_194 = tpu.memref_slice %arg13[%dma_wait3A_192, %dma_wait3A_193] : memref<10240x64xf32, #tpu.memory_space<vmem_shared>> -> memref<10240x64xf32, #tpu.memory_space<vmem_shared>>
        tpu.wait_indirect_dma semaphore(%run_scoped3A_182 : memref<!tpu.dma_semaphore, #tpu.memory_space<semaphore_mem>>) src(%arg9 : memref<125x64xf32, #tpu.memory_space<vmem>>) dst(%dma_wait3A_194 : memref<10240x64xf32, #tpu.memory_space<vmem_shared>>)
        tpu.yield
      }) : () -> ()
      %eq3A_176 = arith.constant 0 : i32
      %eq3A_177 = arith.cmpi eq, %arg0, %eq3A_176 : i32
      %convert_element_type3A_178 = arith.extui %eq3A_177 : i1 to i32
      %cond3A_179 = arith.constant 0 : i32
      %cond3A_180 = arith.cmpi ne, %convert_element_type3A_178, %cond3A_179 : i32
      scf.if %cond3A_180 {
        %add3A_182 = arith.constant 1 : i32
        %add3A_183 = arith.addi %mul3A_131, %add3A_182 : i32
        %dma_start3A_184 = arith.constant 0 : i32
        %dma_start3A_185 = tpu.memref_slice %arg7[%add3A_183, %dma_start3A_184] : memref<80x125xi32, #tpu.memory_space<vmem>> -> memref<1x125xi32, #tpu.memory_space<vmem>>
        %dma_start3A_186 = tpu.memref_squeeze %dma_start3A_185 : memref<1x125xi32, #tpu.memory_space<vmem>> -> memref<125xi32, #tpu.memory_space<vmem>>
        %dma_start3A_187 = arith.constant 0 : i32
        %dma_start3A_188 = arith.constant 0 : i32
        %dma_start3A_189 = tpu.memref_slice %arg14[%dma_start3A_187, %dma_start3A_188] : memref<10240x16xf32, #tpu.memory_space<vmem_shared>> -> memref<10240x16xf32, #tpu.memory_space<vmem_shared>>
        tpu.enqueue_indirect_dma source(%arg10 : memref<125x16xf32, #tpu.memory_space<vmem>>) target(%dma_start3A_189 : memref<10240x16xf32, #tpu.memory_space<vmem_shared>>) offsets(%dma_start3A_186 : memref<125xi32, #tpu.memory_space<vmem>>) semaphore(%arg17 : memref<!tpu.dma_semaphore, #tpu.memory_space<semaphore_mem>>) {add = true}
      } else {
      }
      %scan3A_181 = arith.constant 0 : i32
      scf.yield %scan3A_181 : i32
    }
    %scan3A_55 = arith.constant 40 : i32
    %eq3A = arith.constant 0 : i32
    %eq3A_56 = arith.cmpi eq, %arg0, %eq3A : i32
    %convert_element_type3A = arith.extui %eq3A_56 : i1 to i32
    %cond3A = arith.constant 0 : i32
    %cond3A_57 = arith.cmpi ne, %convert_element_type3A, %cond3A : i32
    scf.if %cond3A_57 {
      %scan3A_128 = arith.constant 0 : i32
      %scan3A_129 = arith.constant 0 : i32
      %scan3A_130 = arith.constant 80 : i32
      %scan3A_131 = arith.addi %scan3A_129, %scan3A_130 : i32
      %scan3A_132 = arith.constant 1 : i32
      %scan3A_133 = scf.for %scan3A_135 = %scan3A_129 to %scan3A_131 step %scan3A_132 iter_args(%scan3A_136 = %scan3A_128) -> (i32)  : i32 {
        %dma_wait3A = arith.constant 0 : i32
        %dma_wait3A_137 = tpu.memref_slice %arg7[%scan3A_135, %dma_wait3A] : memref<80x125xi32, #tpu.memory_space<vmem>> -> memref<1x125xi32, #tpu.memory_space<vmem>>
        %dma_wait3A_138 = tpu.memref_squeeze %dma_wait3A_137 : memref<1x125xi32, #tpu.memory_space<vmem>> -> memref<125xi32, #tpu.memory_space<vmem>>
        %dma_wait3A_139 = arith.constant 0 : i32
        %dma_wait3A_140 = arith.constant 0 : i32
        %dma_wait3A_141 = tpu.memref_slice %arg14[%dma_wait3A_139, %dma_wait3A_140] : memref<10240x16xf32, #tpu.memory_space<vmem_shared>> -> memref<10240x16xf32, #tpu.memory_space<vmem_shared>>
        tpu.wait_indirect_dma semaphore(%arg17 : memref<!tpu.dma_semaphore, #tpu.memory_space<semaphore_mem>>) src(%arg10 : memref<125x16xf32, #tpu.memory_space<vmem>>) dst(%dma_wait3A_141 : memref<10240x16xf32, #tpu.memory_space<vmem_shared>>)
        %scan3A_142 = arith.constant 0 : i32
        scf.yield %scan3A_142 : i32
      }
      %scan3A_134 = arith.constant 80 : i32
    } else {
    }
    %mul3A_58 = arith.constant 2 : i32
    %mul3A_59 = arith.muli %arg1, %mul3A_58 : i32
    %add3A_60 = arith.constant 1 : i32
    %add3A_61 = arith.addi %mul3A_59, %add3A_60 : i32
    %run_scoped3A_62 = arith.constant 0 : i32
    "tpu.region"() ({
      %run_scoped3A_128 = tpu.sem_alloc : memref<!tpu.dma_semaphore, #tpu.memory_space<semaphore_mem>>
      %dma_start3A_129 = arith.constant 0 : i32
      %dma_start3A_130 = arith.constant 0 : i32
      %dma_start3A_131 = arith.constant 0 : i32
      %dma_start3A_132 = tpu.memref_slice %arg3[%run_scoped3A_62, %dma_start3A_129, %dma_start3A_130, %dma_start3A_131] : memref<2x32x80x125xi32, #tpu.memory_space<hbm>> -> memref<1x32x80x125xi32, #tpu.memory_space<hbm>>
      %dma_start3A_133 = tpu.memref_squeeze %dma_start3A_132 : memref<1x32x80x125xi32, #tpu.memory_space<hbm>> -> memref<32x80x125xi32, #tpu.memory_space<hbm>>
      %dma_start3A_134 = arith.constant 0 : i32
      %dma_start3A_135 = arith.constant 0 : i32
      %dma_start3A_136 = tpu.memref_slice %dma_start3A_133[%add3A_61, %dma_start3A_134, %dma_start3A_135] : memref<32x80x125xi32, #tpu.memory_space<hbm>> -> memref<1x80x125xi32, #tpu.memory_space<hbm>>
      %dma_start3A_137 = tpu.memref_squeeze %dma_start3A_136 : memref<1x80x125xi32, #tpu.memory_space<hbm>> -> memref<80x125xi32, #tpu.memory_space<hbm>>
      %dma_start3A_138 = arith.constant 0 : i32
      %dma_start3A_139 = arith.constant 0 : i32
      %dma_start3A_140 = arith.constant 0 : i32
      %dma_start3A_141 = tpu.memref_slice %arg3[%run_scoped3A_62, %dma_start3A_138, %dma_start3A_139, %dma_start3A_140] : memref<2x32x80x125xi32, #tpu.memory_space<hbm>> -> memref<1x32x80x125xi32, #tpu.memory_space<hbm>>
      %dma_start3A_142 = tpu.memref_squeeze %dma_start3A_141 : memref<1x32x80x125xi32, #tpu.memory_space<hbm>> -> memref<32x80x125xi32, #tpu.memory_space<hbm>>
      %dma_start3A_143 = arith.constant 0 : i32
      %dma_start3A_144 = arith.constant 0 : i32
      %dma_start3A_145 = tpu.memref_slice %dma_start3A_142[%add3A_61, %dma_start3A_143, %dma_start3A_144] : memref<32x80x125xi32, #tpu.memory_space<hbm>> -> memref<1x80x125xi32, #tpu.memory_space<hbm>>
      %dma_start3A_146 = tpu.memref_squeeze %dma_start3A_145 : memref<1x80x125xi32, #tpu.memory_space<hbm>> -> memref<80x125xi32, #tpu.memory_space<hbm>>
      tpu.enqueue_dma source(%dma_start3A_146 : memref<80x125xi32, #tpu.memory_space<hbm>>) target(%arg6 : memref<80x125xi32, #tpu.memory_space<vmem>>) target_semaphore(%run_scoped3A_128 : memref<!tpu.dma_semaphore, #tpu.memory_space<semaphore_mem>>)
      %dma_wait3A = arith.constant 0 : i32
      %dma_wait3A_147 = arith.constant 0 : i32
      %dma_wait3A_148 = arith.constant 0 : i32
      %dma_wait3A_149 = tpu.memref_slice %arg3[%run_scoped3A_62, %dma_wait3A, %dma_wait3A_147, %dma_wait3A_148] : memref<2x32x80x125xi32, #tpu.memory_space<hbm>> -> memref<1x32x80x125xi32, #tpu.memory_space<hbm>>
      %dma_wait3A_150 = tpu.memref_squeeze %dma_wait3A_149 : memref<1x32x80x125xi32, #tpu.memory_space<hbm>> -> memref<32x80x125xi32, #tpu.memory_space<hbm>>
      %dma_wait3A_151 = arith.constant 0 : i32
      %dma_wait3A_152 = arith.constant 0 : i32
      %dma_wait3A_153 = tpu.memref_slice %dma_wait3A_150[%add3A_61, %dma_wait3A_151, %dma_wait3A_152] : memref<32x80x125xi32, #tpu.memory_space<hbm>> -> memref<1x80x125xi32, #tpu.memory_space<hbm>>
      %dma_wait3A_154 = tpu.memref_squeeze %dma_wait3A_153 : memref<1x80x125xi32, #tpu.memory_space<hbm>> -> memref<80x125xi32, #tpu.memory_space<hbm>>
      %dma_wait3A_155 = arith.constant 0 : i32
      %dma_wait3A_156 = arith.constant 0 : i32
      %dma_wait3A_157 = arith.constant 0 : i32
      %dma_wait3A_158 = tpu.memref_slice %arg3[%run_scoped3A_62, %dma_wait3A_155, %dma_wait3A_156, %dma_wait3A_157] : memref<2x32x80x125xi32, #tpu.memory_space<hbm>> -> memref<1x32x80x125xi32, #tpu.memory_space<hbm>>
      %dma_wait3A_159 = tpu.memref_squeeze %dma_wait3A_158 : memref<1x32x80x125xi32, #tpu.memory_space<hbm>> -> memref<32x80x125xi32, #tpu.memory_space<hbm>>
      %dma_wait3A_160 = arith.constant 0 : i32
      %dma_wait3A_161 = arith.constant 0 : i32
      %dma_wait3A_162 = tpu.memref_slice %dma_wait3A_159[%add3A_61, %dma_wait3A_160, %dma_wait3A_161] : memref<32x80x125xi32, #tpu.memory_space<hbm>> -> memref<1x80x125xi32, #tpu.memory_space<hbm>>
      %dma_wait3A_163 = tpu.memref_squeeze %dma_wait3A_162 : memref<1x80x125xi32, #tpu.memory_space<hbm>> -> memref<80x125xi32, #tpu.memory_space<hbm>>
      tpu.wait_dma2 semaphore(%run_scoped3A_128 : memref<!tpu.dma_semaphore, #tpu.memory_space<semaphore_mem>>) src(%dma_wait3A_163 : memref<80x125xi32, #tpu.memory_space<hbm>>) dst(%arg6 : memref<80x125xi32, #tpu.memory_space<vmem>>)
      tpu.yield
    }) : () -> ()
    %run_scoped3A_63 = arith.constant 1 : i32
    "tpu.region"() ({
      %run_scoped3A_128 = tpu.sem_alloc : memref<!tpu.dma_semaphore, #tpu.memory_space<semaphore_mem>>
      %dma_start3A_129 = arith.constant 0 : i32
      %dma_start3A_130 = arith.constant 0 : i32
      %dma_start3A_131 = arith.constant 0 : i32
      %dma_start3A_132 = tpu.memref_slice %arg3[%run_scoped3A_63, %dma_start3A_129, %dma_start3A_130, %dma_start3A_131] : memref<2x32x80x125xi32, #tpu.memory_space<hbm>> -> memref<1x32x80x125xi32, #tpu.memory_space<hbm>>
      %dma_start3A_133 = tpu.memref_squeeze %dma_start3A_132 : memref<1x32x80x125xi32, #tpu.memory_space<hbm>> -> memref<32x80x125xi32, #tpu.memory_space<hbm>>
      %dma_start3A_134 = arith.constant 0 : i32
      %dma_start3A_135 = arith.constant 0 : i32
      %dma_start3A_136 = tpu.memref_slice %dma_start3A_133[%add3A_61, %dma_start3A_134, %dma_start3A_135] : memref<32x80x125xi32, #tpu.memory_space<hbm>> -> memref<1x80x125xi32, #tpu.memory_space<hbm>>
      %dma_start3A_137 = tpu.memref_squeeze %dma_start3A_136 : memref<1x80x125xi32, #tpu.memory_space<hbm>> -> memref<80x125xi32, #tpu.memory_space<hbm>>
      %dma_start3A_138 = arith.constant 0 : i32
      %dma_start3A_139 = arith.constant 0 : i32
      %dma_start3A_140 = arith.constant 0 : i32
      %dma_start3A_141 = tpu.memref_slice %arg3[%run_scoped3A_63, %dma_start3A_138, %dma_start3A_139, %dma_start3A_140] : memref<2x32x80x125xi32, #tpu.memory_space<hbm>> -> memref<1x32x80x125xi32, #tpu.memory_space<hbm>>
      %dma_start3A_142 = tpu.memref_squeeze %dma_start3A_141 : memref<1x32x80x125xi32, #tpu.memory_space<hbm>> -> memref<32x80x125xi32, #tpu.memory_space<hbm>>
      %dma_start3A_143 = arith.constant 0 : i32
      %dma_start3A_144 = arith.constant 0 : i32
      %dma_start3A_145 = tpu.memref_slice %dma_start3A_142[%add3A_61, %dma_start3A_143, %dma_start3A_144] : memref<32x80x125xi32, #tpu.memory_space<hbm>> -> memref<1x80x125xi32, #tpu.memory_space<hbm>>
      %dma_start3A_146 = tpu.memref_squeeze %dma_start3A_145 : memref<1x80x125xi32, #tpu.memory_space<hbm>> -> memref<80x125xi32, #tpu.memory_space<hbm>>
      tpu.enqueue_dma source(%dma_start3A_146 : memref<80x125xi32, #tpu.memory_space<hbm>>) target(%arg7 : memref<80x125xi32, #tpu.memory_space<vmem>>) target_semaphore(%run_scoped3A_128 : memref<!tpu.dma_semaphore, #tpu.memory_space<semaphore_mem>>)
      %dma_wait3A = arith.constant 0 : i32
      %dma_wait3A_147 = arith.constant 0 : i32
      %dma_wait3A_148 = arith.constant 0 : i32
      %dma_wait3A_149 = tpu.memref_slice %arg3[%run_scoped3A_63, %dma_wait3A, %dma_wait3A_147, %dma_wait3A_148] : memref<2x32x80x125xi32, #tpu.memory_space<hbm>> -> memref<1x32x80x125xi32, #tpu.memory_space<hbm>>
      %dma_wait3A_150 = tpu.memref_squeeze %dma_wait3A_149 : memref<1x32x80x125xi32, #tpu.memory_space<hbm>> -> memref<32x80x125xi32, #tpu.memory_space<hbm>>
      %dma_wait3A_151 = arith.constant 0 : i32
      %dma_wait3A_152 = arith.constant 0 : i32
      %dma_wait3A_153 = tpu.memref_slice %dma_wait3A_150[%add3A_61, %dma_wait3A_151, %dma_wait3A_152] : memref<32x80x125xi32, #tpu.memory_space<hbm>> -> memref<1x80x125xi32, #tpu.memory_space<hbm>>
      %dma_wait3A_154 = tpu.memref_squeeze %dma_wait3A_153 : memref<1x80x125xi32, #tpu.memory_space<hbm>> -> memref<80x125xi32, #tpu.memory_space<hbm>>
      %dma_wait3A_155 = arith.constant 0 : i32
      %dma_wait3A_156 = arith.constant 0 : i32
      %dma_wait3A_157 = arith.constant 0 : i32
      %dma_wait3A_158 = tpu.memref_slice %arg3[%run_scoped3A_63, %dma_wait3A_155, %dma_wait3A_156, %dma_wait3A_157] : memref<2x32x80x125xi32, #tpu.memory_space<hbm>> -> memref<1x32x80x125xi32, #tpu.memory_space<hbm>>
      %dma_wait3A_159 = tpu.memref_squeeze %dma_wait3A_158 : memref<1x32x80x125xi32, #tpu.memory_space<hbm>> -> memref<32x80x125xi32, #tpu.memory_space<hbm>>
      %dma_wait3A_160 = arith.constant 0 : i32
      %dma_wait3A_161 = arith.constant 0 : i32
      %dma_wait3A_162 = tpu.memref_slice %dma_wait3A_159[%add3A_61, %dma_wait3A_160, %dma_wait3A_161] : memref<32x80x125xi32, #tpu.memory_space<hbm>> -> memref<1x80x125xi32, #tpu.memory_space<hbm>>
      %dma_wait3A_163 = tpu.memref_squeeze %dma_wait3A_162 : memref<1x80x125xi32, #tpu.memory_space<hbm>> -> memref<80x125xi32, #tpu.memory_space<hbm>>
      tpu.wait_dma2 semaphore(%run_scoped3A_128 : memref<!tpu.dma_semaphore, #tpu.memory_space<semaphore_mem>>) src(%dma_wait3A_163 : memref<80x125xi32, #tpu.memory_space<hbm>>) dst(%arg7 : memref<80x125xi32, #tpu.memory_space<vmem>>)
      tpu.yield
    }) : () -> ()
    %dma_start3A_64 = arith.constant 0 : i32
    %dma_start3A_65 = arith.constant 0 : i32
    %dma_start3A_66 = tpu.memref_slice %arg6[%dma_start3A_64, %dma_start3A_65] : memref<80x125xi32, #tpu.memory_space<vmem>> -> memref<1x125xi32, #tpu.memory_space<vmem>>
    %dma_start3A_67 = tpu.memref_squeeze %dma_start3A_66 : memref<1x125xi32, #tpu.memory_space<vmem>> -> memref<125xi32, #tpu.memory_space<vmem>>
    %dma_start3A_68 = arith.constant 0 : i32
    %dma_start3A_69 = arith.constant 0 : i32
    %dma_start3A_70 = tpu.memref_slice %arg2[%arg0, %dma_start3A_68, %dma_start3A_69] : memref<2x10000x64xf32, #tpu.memory_space<hbm>> -> memref<1x10000x64xf32, #tpu.memory_space<hbm>>
    %dma_start3A_71 = tpu.memref_squeeze %dma_start3A_70 : memref<1x10000x64xf32, #tpu.memory_space<hbm>> -> memref<10000x64xf32, #tpu.memory_space<hbm>>
    %dma_start3A_72 = arith.constant 0 : i32
    %dma_start3A_73 = arith.constant 0 : i32
    %dma_start3A_74 = tpu.memref_slice %dma_start3A_71[%dma_start3A_72, %dma_start3A_73] : memref<10000x64xf32, #tpu.memory_space<hbm>> -> memref<10000x64xf32, #tpu.memory_space<hbm>>
    tpu.enqueue_indirect_dma source(%dma_start3A_74 : memref<10000x64xf32, #tpu.memory_space<hbm>>) target(%arg8 : memref<125x64xf32, #tpu.memory_space<vmem>>) offsets(%dma_start3A_67 : memref<125xi32, #tpu.memory_space<vmem>>) semaphore(%arg15 : memref<!tpu.dma_semaphore, #tpu.memory_space<semaphore_mem>>)
    %scan3A_75 = arith.constant 0 : i32
    %scan3A_76 = arith.constant 0 : i32
    %scan3A_77 = arith.constant 40 : i32
    %scan3A_78 = arith.addi %scan3A_76, %scan3A_77 : i32
    %scan3A_79 = arith.constant 1 : i32
    %scan3A_80 = scf.for %scan3A_128 = %scan3A_76 to %scan3A_78 step %scan3A_79 iter_args(%scan3A_129 = %scan3A_75) -> (i32)  : i32 {
      %mul3A_130 = arith.constant 2 : i32
      %mul3A_131 = arith.muli %mul3A_130, %scan3A_128 : i32
      %add3A_132 = arith.constant 1 : i32
      %add3A_133 = arith.addi %mul3A_131, %add3A_132 : i32
      %dma_start3A_134 = arith.constant 0 : i32
      %dma_start3A_135 = tpu.memref_slice %arg6[%add3A_133, %dma_start3A_134] : memref<80x125xi32, #tpu.memory_space<vmem>> -> memref<1x125xi32, #tpu.memory_space<vmem>>
      %dma_start3A_136 = tpu.memref_squeeze %dma_start3A_135 : memref<1x125xi32, #tpu.memory_space<vmem>> -> memref<125xi32, #tpu.memory_space<vmem>>
      %dma_start3A_137 = arith.constant 0 : i32
      %dma_start3A_138 = arith.constant 0 : i32
      %dma_start3A_139 = tpu.memref_slice %arg2[%arg0, %dma_start3A_137, %dma_start3A_138] : memref<2x10000x64xf32, #tpu.memory_space<hbm>> -> memref<1x10000x64xf32, #tpu.memory_space<hbm>>
      %dma_start3A_140 = tpu.memref_squeeze %dma_start3A_139 : memref<1x10000x64xf32, #tpu.memory_space<hbm>> -> memref<10000x64xf32, #tpu.memory_space<hbm>>
      %dma_start3A_141 = arith.constant 0 : i32
      %dma_start3A_142 = arith.constant 0 : i32
      %dma_start3A_143 = tpu.memref_slice %dma_start3A_140[%dma_start3A_141, %dma_start3A_142] : memref<10000x64xf32, #tpu.memory_space<hbm>> -> memref<10000x64xf32, #tpu.memory_space<hbm>>
      tpu.enqueue_indirect_dma source(%dma_start3A_143 : memref<10000x64xf32, #tpu.memory_space<hbm>>) target(%arg9 : memref<125x64xf32, #tpu.memory_space<vmem>>) offsets(%dma_start3A_136 : memref<125xi32, #tpu.memory_space<vmem>>) semaphore(%arg16 : memref<!tpu.dma_semaphore, #tpu.memory_space<semaphore_mem>>)
      %dma_wait3A = arith.constant 0 : i32
      %dma_wait3A_144 = tpu.memref_slice %arg6[%mul3A_131, %dma_wait3A] : memref<80x125xi32, #tpu.memory_space<vmem>> -> memref<1x125xi32, #tpu.memory_space<vmem>>
      %dma_wait3A_145 = tpu.memref_squeeze %dma_wait3A_144 : memref<1x125xi32, #tpu.memory_space<vmem>> -> memref<125xi32, #tpu.memory_space<vmem>>
      %dma_wait3A_146 = arith.constant 0 : i32
      %dma_wait3A_147 = arith.constant 0 : i32
      %dma_wait3A_148 = tpu.memref_slice %arg2[%arg0, %dma_wait3A_146, %dma_wait3A_147] : memref<2x10000x64xf32, #tpu.memory_space<hbm>> -> memref<1x10000x64xf32, #tpu.memory_space<hbm>>
      %dma_wait3A_149 = tpu.memref_squeeze %dma_wait3A_148 : memref<1x10000x64xf32, #tpu.memory_space<hbm>> -> memref<10000x64xf32, #tpu.memory_space<hbm>>
      %dma_wait3A_150 = arith.constant 0 : i32
      %dma_wait3A_151 = arith.constant 0 : i32
      %dma_wait3A_152 = tpu.memref_slice %dma_wait3A_149[%dma_wait3A_150, %dma_wait3A_151] : memref<10000x64xf32, #tpu.memory_space<hbm>> -> memref<10000x64xf32, #tpu.memory_space<hbm>>
      tpu.wait_indirect_dma semaphore(%arg15 : memref<!tpu.dma_semaphore, #tpu.memory_space<semaphore_mem>>) src(%dma_wait3A_152 : memref<10000x64xf32, #tpu.memory_space<hbm>>) dst(%arg8 : memref<125x64xf32, #tpu.memory_space<vmem>>)
      "tpu.region"() ({
        %run_scoped3A_182 = tpu.sem_alloc : memref<!tpu.dma_semaphore, #tpu.memory_space<semaphore_mem>>
        %dma_start3A_183 = arith.constant 0 : i32
        %dma_start3A_184 = tpu.memref_slice %arg7[%mul3A_131, %dma_start3A_183] : memref<80x125xi32, #tpu.memory_space<vmem>> -> memref<1x125xi32, #tpu.memory_space<vmem>>
        %dma_start3A_185 = tpu.memref_squeeze %dma_start3A_184 : memref<1x125xi32, #tpu.memory_space<vmem>> -> memref<125xi32, #tpu.memory_space<vmem>>
        %dma_start3A_186 = arith.constant 0 : i32
        %dma_start3A_187 = arith.constant 0 : i32
        %dma_start3A_188 = tpu.memref_slice %arg13[%dma_start3A_186, %dma_start3A_187] : memref<10240x64xf32, #tpu.memory_space<vmem_shared>> -> memref<10240x64xf32, #tpu.memory_space<vmem_shared>>
        tpu.enqueue_indirect_dma source(%arg8 : memref<125x64xf32, #tpu.memory_space<vmem>>) target(%dma_start3A_188 : memref<10240x64xf32, #tpu.memory_space<vmem_shared>>) offsets(%dma_start3A_185 : memref<125xi32, #tpu.memory_space<vmem>>) semaphore(%run_scoped3A_182 : memref<!tpu.dma_semaphore, #tpu.memory_space<semaphore_mem>>) {add = true}
        %dma_wait3A_189 = arith.constant 0 : i32
        %dma_wait3A_190 = tpu.memref_slice %arg7[%mul3A_131, %dma_wait3A_189] : memref<80x125xi32, #tpu.memory_space<vmem>> -> memref<1x125xi32, #tpu.memory_space<vmem>>
        %dma_wait3A_191 = tpu.memref_squeeze %dma_wait3A_190 : memref<1x125xi32, #tpu.memory_space<vmem>> -> memref<125xi32, #tpu.memory_space<vmem>>
        %dma_wait3A_192 = arith.constant 0 : i32
        %dma_wait3A_193 = arith.constant 0 : i32
        %dma_wait3A_194 = tpu.memref_slice %arg13[%dma_wait3A_192, %dma_wait3A_193] : memref<10240x64xf32, #tpu.memory_space<vmem_shared>> -> memref<10240x64xf32, #tpu.memory_space<vmem_shared>>
        tpu.wait_indirect_dma semaphore(%run_scoped3A_182 : memref<!tpu.dma_semaphore, #tpu.memory_space<semaphore_mem>>) src(%arg8 : memref<125x64xf32, #tpu.memory_space<vmem>>) dst(%dma_wait3A_194 : memref<10240x64xf32, #tpu.memory_space<vmem_shared>>)
        tpu.yield
      }) : () -> ()
      %eq3A_153 = arith.constant 1 : i32
      %eq3A_154 = arith.cmpi eq, %arg0, %eq3A_153 : i32
      %convert_element_type3A_155 = arith.extui %eq3A_154 : i1 to i32
      %cond3A_156 = arith.constant 0 : i32
      %cond3A_157 = arith.cmpi ne, %convert_element_type3A_155, %cond3A_156 : i32
      scf.if %cond3A_157 {
        %dma_start3A_182 = arith.constant 0 : i32
        %dma_start3A_183 = tpu.memref_slice %arg7[%mul3A_131, %dma_start3A_182] : memref<80x125xi32, #tpu.memory_space<vmem>> -> memref<1x125xi32, #tpu.memory_space<vmem>>
        %dma_start3A_184 = tpu.memref_squeeze %dma_start3A_183 : memref<1x125xi32, #tpu.memory_space<vmem>> -> memref<125xi32, #tpu.memory_space<vmem>>
        %dma_start3A_185 = arith.constant 0 : i32
        %dma_start3A_186 = arith.constant 0 : i32
        %dma_start3A_187 = tpu.memref_slice %arg14[%dma_start3A_185, %dma_start3A_186] : memref<10240x16xf32, #tpu.memory_space<vmem_shared>> -> memref<10240x16xf32, #tpu.memory_space<vmem_shared>>
        tpu.enqueue_indirect_dma source(%arg10 : memref<125x16xf32, #tpu.memory_space<vmem>>) target(%dma_start3A_187 : memref<10240x16xf32, #tpu.memory_space<vmem_shared>>) offsets(%dma_start3A_184 : memref<125xi32, #tpu.memory_space<vmem>>) semaphore(%arg17 : memref<!tpu.dma_semaphore, #tpu.memory_space<semaphore_mem>>) {add = true}
      } else {
      }
      %lt3A = arith.constant 39 : i32
      %lt3A_158 = arith.cmpi slt, %scan3A_128, %lt3A : i32
      %convert_element_type3A_159 = arith.extui %lt3A_158 : i1 to i32
      %cond3A_160 = arith.constant 0 : i32
      %cond3A_161 = arith.cmpi ne, %convert_element_type3A_159, %cond3A_160 : i32
      scf.if %cond3A_161 {
        %add3A_182 = arith.constant 2 : i32
        %add3A_183 = arith.addi %mul3A_131, %add3A_182 : i32
        %dma_start3A_184 = arith.constant 0 : i32
        %dma_start3A_185 = tpu.memref_slice %arg6[%add3A_183, %dma_start3A_184] : memref<80x125xi32, #tpu.memory_space<vmem>> -> memref<1x125xi32, #tpu.memory_space<vmem>>
        %dma_start3A_186 = tpu.memref_squeeze %dma_start3A_185 : memref<1x125xi32, #tpu.memory_space<vmem>> -> memref<125xi32, #tpu.memory_space<vmem>>
        %dma_start3A_187 = arith.constant 0 : i32
        %dma_start3A_188 = arith.constant 0 : i32
        %dma_start3A_189 = tpu.memref_slice %arg2[%arg0, %dma_start3A_187, %dma_start3A_188] : memref<2x10000x64xf32, #tpu.memory_space<hbm>> -> memref<1x10000x64xf32, #tpu.memory_space<hbm>>
        %dma_start3A_190 = tpu.memref_squeeze %dma_start3A_189 : memref<1x10000x64xf32, #tpu.memory_space<hbm>> -> memref<10000x64xf32, #tpu.memory_space<hbm>>
        %dma_start3A_191 = arith.constant 0 : i32
        %dma_start3A_192 = arith.constant 0 : i32
        %dma_start3A_193 = tpu.memref_slice %dma_start3A_190[%dma_start3A_191, %dma_start3A_192] : memref<10000x64xf32, #tpu.memory_space<hbm>> -> memref<10000x64xf32, #tpu.memory_space<hbm>>
        tpu.enqueue_indirect_dma source(%dma_start3A_193 : memref<10000x64xf32, #tpu.memory_space<hbm>>) target(%arg8 : memref<125x64xf32, #tpu.memory_space<vmem>>) offsets(%dma_start3A_186 : memref<125xi32, #tpu.memory_space<vmem>>) semaphore(%arg15 : memref<!tpu.dma_semaphore, #tpu.memory_space<semaphore_mem>>)
      } else {
      }
      %add3A_162 = arith.constant 1 : i32
      %add3A_163 = arith.addi %mul3A_131, %add3A_162 : i32
      %dma_wait3A_164 = arith.constant 0 : i32
      %dma_wait3A_165 = tpu.memref_slice %arg6[%add3A_163, %dma_wait3A_164] : memref<80x125xi32, #tpu.memory_space<vmem>> -> memref<1x125xi32, #tpu.memory_space<vmem>>
      %dma_wait3A_166 = tpu.memref_squeeze %dma_wait3A_165 : memref<1x125xi32, #tpu.memory_space<vmem>> -> memref<125xi32, #tpu.memory_space<vmem>>
      %dma_wait3A_167 = arith.constant 0 : i32
      %dma_wait3A_168 = arith.constant 0 : i32
      %dma_wait3A_169 = tpu.memref_slice %arg2[%arg0, %dma_wait3A_167, %dma_wait3A_168] : memref<2x10000x64xf32, #tpu.memory_space<hbm>> -> memref<1x10000x64xf32, #tpu.memory_space<hbm>>
      %dma_wait3A_170 = tpu.memref_squeeze %dma_wait3A_169 : memref<1x10000x64xf32, #tpu.memory_space<hbm>> -> memref<10000x64xf32, #tpu.memory_space<hbm>>
      %dma_wait3A_171 = arith.constant 0 : i32
      %dma_wait3A_172 = arith.constant 0 : i32
      %dma_wait3A_173 = tpu.memref_slice %dma_wait3A_170[%dma_wait3A_171, %dma_wait3A_172] : memref<10000x64xf32, #tpu.memory_space<hbm>> -> memref<10000x64xf32, #tpu.memory_space<hbm>>
      tpu.wait_indirect_dma semaphore(%arg16 : memref<!tpu.dma_semaphore, #tpu.memory_space<semaphore_mem>>) src(%dma_wait3A_173 : memref<10000x64xf32, #tpu.memory_space<hbm>>) dst(%arg9 : memref<125x64xf32, #tpu.memory_space<vmem>>)
      %add3A_174 = arith.constant 1 : i32
      %add3A_175 = arith.addi %mul3A_131, %add3A_174 : i32
      "tpu.region"() ({
        %run_scoped3A_182 = tpu.sem_alloc : memref<!tpu.dma_semaphore, #tpu.memory_space<semaphore_mem>>
        %dma_start3A_183 = arith.constant 0 : i32
        %dma_start3A_184 = tpu.memref_slice %arg7[%add3A_175, %dma_start3A_183] : memref<80x125xi32, #tpu.memory_space<vmem>> -> memref<1x125xi32, #tpu.memory_space<vmem>>
        %dma_start3A_185 = tpu.memref_squeeze %dma_start3A_184 : memref<1x125xi32, #tpu.memory_space<vmem>> -> memref<125xi32, #tpu.memory_space<vmem>>
        %dma_start3A_186 = arith.constant 0 : i32
        %dma_start3A_187 = arith.constant 0 : i32
        %dma_start3A_188 = tpu.memref_slice %arg13[%dma_start3A_186, %dma_start3A_187] : memref<10240x64xf32, #tpu.memory_space<vmem_shared>> -> memref<10240x64xf32, #tpu.memory_space<vmem_shared>>
        tpu.enqueue_indirect_dma source(%arg9 : memref<125x64xf32, #tpu.memory_space<vmem>>) target(%dma_start3A_188 : memref<10240x64xf32, #tpu.memory_space<vmem_shared>>) offsets(%dma_start3A_185 : memref<125xi32, #tpu.memory_space<vmem>>) semaphore(%run_scoped3A_182 : memref<!tpu.dma_semaphore, #tpu.memory_space<semaphore_mem>>) {add = true}
        %dma_wait3A_189 = arith.constant 0 : i32
        %dma_wait3A_190 = tpu.memref_slice %arg7[%add3A_175, %dma_wait3A_189] : memref<80x125xi32, #tpu.memory_space<vmem>> -> memref<1x125xi32, #tpu.memory_space<vmem>>
        %dma_wait3A_191 = tpu.memref_squeeze %dma_wait3A_190 : memref<1x125xi32, #tpu.memory_space<vmem>> -> memref<125xi32, #tpu.memory_space<vmem>>
        %dma_wait3A_192 = arith.constant 0 : i32
        %dma_wait3A_193 = arith.constant 0 : i32
        %dma_wait3A_194 = tpu.memref_slice %arg13[%dma_wait3A_192, %dma_wait3A_193] : memref<10240x64xf32, #tpu.memory_space<vmem_shared>> -> memref<10240x64xf32, #tpu.memory_space<vmem_shared>>
        tpu.wait_indirect_dma semaphore(%run_scoped3A_182 : memref<!tpu.dma_semaphore, #tpu.memory_space<semaphore_mem>>) src(%arg9 : memref<125x64xf32, #tpu.memory_space<vmem>>) dst(%dma_wait3A_194 : memref<10240x64xf32, #tpu.memory_space<vmem_shared>>)
        tpu.yield
      }) : () -> ()
      %eq3A_176 = arith.constant 1 : i32
      %eq3A_177 = arith.cmpi eq, %arg0, %eq3A_176 : i32
      %convert_element_type3A_178 = arith.extui %eq3A_177 : i1 to i32
      %cond3A_179 = arith.constant 0 : i32
      %cond3A_180 = arith.cmpi ne, %convert_element_type3A_178, %cond3A_179 : i32
      scf.if %cond3A_180 {
        %add3A_182 = arith.constant 1 : i32
        %add3A_183 = arith.addi %mul3A_131, %add3A_182 : i32
        %dma_start3A_184 = arith.constant 0 : i32
        %dma_start3A_185 = tpu.memref_slice %arg7[%add3A_183, %dma_start3A_184] : memref<80x125xi32, #tpu.memory_space<vmem>> -> memref<1x125xi32, #tpu.memory_space<vmem>>
        %dma_start3A_186 = tpu.memref_squeeze %dma_start3A_185 : memref<1x125xi32, #tpu.memory_space<vmem>> -> memref<125xi32, #tpu.memory_space<vmem>>
        %dma_start3A_187 = arith.constant 0 : i32
        %dma_start3A_188 = arith.constant 0 : i32
        %dma_start3A_189 = tpu.memref_slice %arg14[%dma_start3A_187, %dma_start3A_188] : memref<10240x16xf32, #tpu.memory_space<vmem_shared>> -> memref<10240x16xf32, #tpu.memory_space<vmem_shared>>
        tpu.enqueue_indirect_dma source(%arg10 : memref<125x16xf32, #tpu.memory_space<vmem>>) target(%dma_start3A_189 : memref<10240x16xf32, #tpu.memory_space<vmem_shared>>) offsets(%dma_start3A_186 : memref<125xi32, #tpu.memory_space<vmem>>) semaphore(%arg17 : memref<!tpu.dma_semaphore, #tpu.memory_space<semaphore_mem>>) {add = true}
      } else {
      }
      %scan3A_181 = arith.constant 0 : i32
      scf.yield %scan3A_181 : i32
    }
    %scan3A_81 = arith.constant 40 : i32
    %eq3A_82 = arith.constant 1 : i32
    %eq3A_83 = arith.cmpi eq, %arg0, %eq3A_82 : i32
    %convert_element_type3A_84 = arith.extui %eq3A_83 : i1 to i32
    %cond3A_85 = arith.constant 0 : i32
    %cond3A_86 = arith.cmpi ne, %convert_element_type3A_84, %cond3A_85 : i32
    scf.if %cond3A_86 {
      %scan3A_128 = arith.constant 0 : i32
      %scan3A_129 = arith.constant 0 : i32
      %scan3A_130 = arith.constant 80 : i32
      %scan3A_131 = arith.addi %scan3A_129, %scan3A_130 : i32
      %scan3A_132 = arith.constant 1 : i32
      %scan3A_133 = scf.for %scan3A_135 = %scan3A_129 to %scan3A_131 step %scan3A_132 iter_args(%scan3A_136 = %scan3A_128) -> (i32)  : i32 {
        %dma_wait3A = arith.constant 0 : i32
        %dma_wait3A_137 = tpu.memref_slice %arg7[%scan3A_135, %dma_wait3A] : memref<80x125xi32, #tpu.memory_space<vmem>> -> memref<1x125xi32, #tpu.memory_space<vmem>>
        %dma_wait3A_138 = tpu.memref_squeeze %dma_wait3A_137 : memref<1x125xi32, #tpu.memory_space<vmem>> -> memref<125xi32, #tpu.memory_space<vmem>>
        %dma_wait3A_139 = arith.constant 0 : i32
        %dma_wait3A_140 = arith.constant 0 : i32
        %dma_wait3A_141 = tpu.memref_slice %arg14[%dma_wait3A_139, %dma_wait3A_140] : memref<10240x16xf32, #tpu.memory_space<vmem_shared>> -> memref<10240x16xf32, #tpu.memory_space<vmem_shared>>
        tpu.wait_indirect_dma semaphore(%arg17 : memref<!tpu.dma_semaphore, #tpu.memory_space<semaphore_mem>>) src(%arg10 : memref<125x16xf32, #tpu.memory_space<vmem>>) dst(%dma_wait3A_141 : memref<10240x16xf32, #tpu.memory_space<vmem_shared>>)
        %scan3A_142 = arith.constant 0 : i32
        scf.yield %scan3A_142 : i32
      }
      %scan3A_134 = arith.constant 80 : i32
    } else {
    }
    %barrier3A_87 = arith.constant 0 : index
    tpu.barrier barrier_id(%barrier3A_87)
    %mul3A_88 = arith.constant 640 : i32
    %mul3A_89 = arith.muli %arg1, %mul3A_88 : i32
    %add3A_90 = arith.constant 0 : i32
    %add3A_91 = arith.addi %mul3A_89, %add3A_90 : i32
    %mul3A_92 = arith.constant 64 : i32
    %mul3A_93 = arith.muli %arg0, %mul3A_92 : i32
    "tpu.region"() ({
      %run_scoped3A_128 = tpu.sem_alloc : memref<!tpu.dma_semaphore, #tpu.memory_space<semaphore_mem>>
      %dma_start3A_129 = tpu.memref_slice %arg4[%add3A_91, %mul3A_93] : memref<10240x128xf32, #tpu.memory_space<hbm>> -> memref<128x64xf32, #tpu.memory_space<hbm>>
      %dma_start3A_130 = arith.constant 0 : i32
      %dma_start3A_131 = tpu.memref_slice %arg13[%add3A_91, %dma_start3A_130] : memref<10240x64xf32, #tpu.memory_space<vmem_shared>> -> memref<128x64xf32, #tpu.memory_space<vmem_shared>>
      tpu.enqueue_dma source(%dma_start3A_131 : memref<128x64xf32, #tpu.memory_space<vmem_shared>>) target(%dma_start3A_129 : memref<128x64xf32, #tpu.memory_space<hbm>>) target_semaphore(%run_scoped3A_128 : memref<!tpu.dma_semaphore, #tpu.memory_space<semaphore_mem>>)
      %dma_wait3A = tpu.memref_slice %arg4[%add3A_91, %mul3A_93] : memref<10240x128xf32, #tpu.memory_space<hbm>> -> memref<128x64xf32, #tpu.memory_space<hbm>>
      %dma_wait3A_132 = arith.constant 0 : i32
      %dma_wait3A_133 = tpu.memref_slice %arg13[%add3A_91, %dma_wait3A_132] : memref<10240x64xf32, #tpu.memory_space<vmem_shared>> -> memref<128x64xf32, #tpu.memory_space<vmem_shared>>
      tpu.wait_dma2 semaphore(%run_scoped3A_128 : memref<!tpu.dma_semaphore, #tpu.memory_space<semaphore_mem>>) src(%dma_wait3A_133 : memref<128x64xf32, #tpu.memory_space<vmem_shared>>) dst(%dma_wait3A : memref<128x64xf32, #tpu.memory_space<hbm>>)
      tpu.yield
    }) : () -> ()
    %mul3A_94 = arith.constant 16 : i32
    %mul3A_95 = arith.muli %arg0, %mul3A_94 : i32
    "tpu.region"() ({
      %run_scoped3A_128 = tpu.sem_alloc : memref<!tpu.dma_semaphore, #tpu.memory_space<semaphore_mem>>
      %dma_start3A_129 = tpu.memref_slice %arg5[%add3A_91, %mul3A_95] : memref<10240x32xf32, #tpu.memory_space<hbm>> -> memref<128x16xf32, #tpu.memory_space<hbm>>
      %dma_start3A_130 = arith.constant 0 : i32
      %dma_start3A_131 = tpu.memref_slice %arg14[%add3A_91, %dma_start3A_130] : memref<10240x16xf32, #tpu.memory_space<vmem_shared>> -> memref<128x16xf32, #tpu.memory_space<vmem_shared>>
      tpu.enqueue_dma source(%dma_start3A_131 : memref<128x16xf32, #tpu.memory_space<vmem_shared>>) target(%dma_start3A_129 : memref<128x16xf32, #tpu.memory_space<hbm>>) target_semaphore(%run_scoped3A_128 : memref<!tpu.dma_semaphore, #tpu.memory_space<semaphore_mem>>)
      %dma_wait3A = tpu.memref_slice %arg5[%add3A_91, %mul3A_95] : memref<10240x32xf32, #tpu.memory_space<hbm>> -> memref<128x16xf32, #tpu.memory_space<hbm>>
      %dma_wait3A_132 = arith.constant 0 : i32
      %dma_wait3A_133 = tpu.memref_slice %arg14[%add3A_91, %dma_wait3A_132] : memref<10240x16xf32, #tpu.memory_space<vmem_shared>> -> memref<128x16xf32, #tpu.memory_space<vmem_shared>>
      tpu.wait_dma2 semaphore(%run_scoped3A_128 : memref<!tpu.dma_semaphore, #tpu.memory_space<semaphore_mem>>) src(%dma_wait3A_133 : memref<128x16xf32, #tpu.memory_space<vmem_shared>>) dst(%dma_wait3A : memref<128x16xf32, #tpu.memory_space<hbm>>)
      tpu.yield
    }) : () -> ()
    %mul3A_96 = arith.constant 640 : i32
    %mul3A_97 = arith.muli %arg1, %mul3A_96 : i32
    %add3A_98 = arith.constant 128 : i32
    %add3A_99 = arith.addi %mul3A_97, %add3A_98 : i32
    %mul3A_100 = arith.constant 64 : i32
    %mul3A_101 = arith.muli %arg0, %mul3A_100 : i32
    "tpu.region"() ({
      %run_scoped3A_128 = tpu.sem_alloc : memref<!tpu.dma_semaphore, #tpu.memory_space<semaphore_mem>>
      %dma_start3A_129 = tpu.memref_slice %arg4[%add3A_99, %mul3A_101] : memref<10240x128xf32, #tpu.memory_space<hbm>> -> memref<128x64xf32, #tpu.memory_space<hbm>>
      %dma_start3A_130 = arith.constant 0 : i32
      %dma_start3A_131 = tpu.memref_slice %arg13[%add3A_99, %dma_start3A_130] : memref<10240x64xf32, #tpu.memory_space<vmem_shared>> -> memref<128x64xf32, #tpu.memory_space<vmem_shared>>
      tpu.enqueue_dma source(%dma_start3A_131 : memref<128x64xf32, #tpu.memory_space<vmem_shared>>) target(%dma_start3A_129 : memref<128x64xf32, #tpu.memory_space<hbm>>) target_semaphore(%run_scoped3A_128 : memref<!tpu.dma_semaphore, #tpu.memory_space<semaphore_mem>>)
      %dma_wait3A = tpu.memref_slice %arg4[%add3A_99, %mul3A_101] : memref<10240x128xf32, #tpu.memory_space<hbm>> -> memref<128x64xf32, #tpu.memory_space<hbm>>
      %dma_wait3A_132 = arith.constant 0 : i32
      %dma_wait3A_133 = tpu.memref_slice %arg13[%add3A_99, %dma_wait3A_132] : memref<10240x64xf32, #tpu.memory_space<vmem_shared>> -> memref<128x64xf32, #tpu.memory_space<vmem_shared>>
      tpu.wait_dma2 semaphore(%run_scoped3A_128 : memref<!tpu.dma_semaphore, #tpu.memory_space<semaphore_mem>>) src(%dma_wait3A_133 : memref<128x64xf32, #tpu.memory_space<vmem_shared>>) dst(%dma_wait3A : memref<128x64xf32, #tpu.memory_space<hbm>>)
      tpu.yield
    }) : () -> ()
    %mul3A_102 = arith.constant 16 : i32
    %mul3A_103 = arith.muli %arg0, %mul3A_102 : i32
    "tpu.region"() ({
      %run_scoped3A_128 = tpu.sem_alloc : memref<!tpu.dma_semaphore, #tpu.memory_space<semaphore_mem>>
      %dma_start3A_129 = tpu.memref_slice %arg5[%add3A_99, %mul3A_103] : memref<10240x32xf32, #tpu.memory_space<hbm>> -> memref<128x16xf32, #tpu.memory_space<hbm>>
      %dma_start3A_130 = arith.constant 0 : i32
      %dma_start3A_131 = tpu.memref_slice %arg14[%add3A_99, %dma_start3A_130] : memref<10240x16xf32, #tpu.memory_space<vmem_shared>> -> memref<128x16xf32, #tpu.memory_space<vmem_shared>>
      tpu.enqueue_dma source(%dma_start3A_131 : memref<128x16xf32, #tpu.memory_space<vmem_shared>>) target(%dma_start3A_129 : memref<128x16xf32, #tpu.memory_space<hbm>>) target_semaphore(%run_scoped3A_128 : memref<!tpu.dma_semaphore, #tpu.memory_space<semaphore_mem>>)
      %dma_wait3A = tpu.memref_slice %arg5[%add3A_99, %mul3A_103] : memref<10240x32xf32, #tpu.memory_space<hbm>> -> memref<128x16xf32, #tpu.memory_space<hbm>>
      %dma_wait3A_132 = arith.constant 0 : i32
      %dma_wait3A_133 = tpu.memref_slice %arg14[%add3A_99, %dma_wait3A_132] : memref<10240x16xf32, #tpu.memory_space<vmem_shared>> -> memref<128x16xf32, #tpu.memory_space<vmem_shared>>
      tpu.wait_dma2 semaphore(%run_scoped3A_128 : memref<!tpu.dma_semaphore, #tpu.memory_space<semaphore_mem>>) src(%dma_wait3A_133 : memref<128x16xf32, #tpu.memory_space<vmem_shared>>) dst(%dma_wait3A : memref<128x16xf32, #tpu.memory_space<hbm>>)
      tpu.yield
    }) : () -> ()
    %mul3A_104 = arith.constant 640 : i32
    %mul3A_105 = arith.muli %arg1, %mul3A_104 : i32
    %add3A_106 = arith.constant 256 : i32
    %add3A_107 = arith.addi %mul3A_105, %add3A_106 : i32
    %mul3A_108 = arith.constant 64 : i32
    %mul3A_109 = arith.muli %arg0, %mul3A_108 : i32
    "tpu.region"() ({
      %run_scoped3A_128 = tpu.sem_alloc : memref<!tpu.dma_semaphore, #tpu.memory_space<semaphore_mem>>
      %dma_start3A_129 = tpu.memref_slice %arg4[%add3A_107, %mul3A_109] : memref<10240x128xf32, #tpu.memory_space<hbm>> -> memref<128x64xf32, #tpu.memory_space<hbm>>
      %dma_start3A_130 = arith.constant 0 : i32
      %dma_start3A_131 = tpu.memref_slice %arg13[%add3A_107, %dma_start3A_130] : memref<10240x64xf32, #tpu.memory_space<vmem_shared>> -> memref<128x64xf32, #tpu.memory_space<vmem_shared>>
      tpu.enqueue_dma source(%dma_start3A_131 : memref<128x64xf32, #tpu.memory_space<vmem_shared>>) target(%dma_start3A_129 : memref<128x64xf32, #tpu.memory_space<hbm>>) target_semaphore(%run_scoped3A_128 : memref<!tpu.dma_semaphore, #tpu.memory_space<semaphore_mem>>)
      %dma_wait3A = tpu.memref_slice %arg4[%add3A_107, %mul3A_109] : memref<10240x128xf32, #tpu.memory_space<hbm>> -> memref<128x64xf32, #tpu.memory_space<hbm>>
      %dma_wait3A_132 = arith.constant 0 : i32
      %dma_wait3A_133 = tpu.memref_slice %arg13[%add3A_107, %dma_wait3A_132] : memref<10240x64xf32, #tpu.memory_space<vmem_shared>> -> memref<128x64xf32, #tpu.memory_space<vmem_shared>>
      tpu.wait_dma2 semaphore(%run_scoped3A_128 : memref<!tpu.dma_semaphore, #tpu.memory_space<semaphore_mem>>) src(%dma_wait3A_133 : memref<128x64xf32, #tpu.memory_space<vmem_shared>>) dst(%dma_wait3A : memref<128x64xf32, #tpu.memory_space<hbm>>)
      tpu.yield
    }) : () -> ()
    %mul3A_110 = arith.constant 16 : i32
    %mul3A_111 = arith.muli %arg0, %mul3A_110 : i32
    "tpu.region"() ({
      %run_scoped3A_128 = tpu.sem_alloc : memref<!tpu.dma_semaphore, #tpu.memory_space<semaphore_mem>>
      %dma_start3A_129 = tpu.memref_slice %arg5[%add3A_107, %mul3A_111] : memref<10240x32xf32, #tpu.memory_space<hbm>> -> memref<128x16xf32, #tpu.memory_space<hbm>>
      %dma_start3A_130 = arith.constant 0 : i32
      %dma_start3A_131 = tpu.memref_slice %arg14[%add3A_107, %dma_start3A_130] : memref<10240x16xf32, #tpu.memory_space<vmem_shared>> -> memref<128x16xf32, #tpu.memory_space<vmem_shared>>
      tpu.enqueue_dma source(%dma_start3A_131 : memref<128x16xf32, #tpu.memory_space<vmem_shared>>) target(%dma_start3A_129 : memref<128x16xf32, #tpu.memory_space<hbm>>) target_semaphore(%run_scoped3A_128 : memref<!tpu.dma_semaphore, #tpu.memory_space<semaphore_mem>>)
      %dma_wait3A = tpu.memref_slice %arg5[%add3A_107, %mul3A_111] : memref<10240x32xf32, #tpu.memory_space<hbm>> -> memref<128x16xf32, #tpu.memory_space<hbm>>
      %dma_wait3A_132 = arith.constant 0 : i32
      %dma_wait3A_133 = tpu.memref_slice %arg14[%add3A_107, %dma_wait3A_132] : memref<10240x16xf32, #tpu.memory_space<vmem_shared>> -> memref<128x16xf32, #tpu.memory_space<vmem_shared>>
      tpu.wait_dma2 semaphore(%run_scoped3A_128 : memref<!tpu.dma_semaphore, #tpu.memory_space<semaphore_mem>>) src(%dma_wait3A_133 : memref<128x16xf32, #tpu.memory_space<vmem_shared>>) dst(%dma_wait3A : memref<128x16xf32, #tpu.memory_space<hbm>>)
      tpu.yield
    }) : () -> ()
    %mul3A_112 = arith.constant 640 : i32
    %mul3A_113 = arith.muli %arg1, %mul3A_112 : i32
    %add3A_114 = arith.constant 384 : i32
    %add3A_115 = arith.addi %mul3A_113, %add3A_114 : i32
    %mul3A_116 = arith.constant 64 : i32
    %mul3A_117 = arith.muli %arg0, %mul3A_116 : i32
    "tpu.region"() ({
      %run_scoped3A_128 = tpu.sem_alloc : memref<!tpu.dma_semaphore, #tpu.memory_space<semaphore_mem>>
      %dma_start3A_129 = tpu.memref_slice %arg4[%add3A_115, %mul3A_117] : memref<10240x128xf32, #tpu.memory_space<hbm>> -> memref<128x64xf32, #tpu.memory_space<hbm>>
      %dma_start3A_130 = arith.constant 0 : i32
      %dma_start3A_131 = tpu.memref_slice %arg13[%add3A_115, %dma_start3A_130] : memref<10240x64xf32, #tpu.memory_space<vmem_shared>> -> memref<128x64xf32, #tpu.memory_space<vmem_shared>>
      tpu.enqueue_dma source(%dma_start3A_131 : memref<128x64xf32, #tpu.memory_space<vmem_shared>>) target(%dma_start3A_129 : memref<128x64xf32, #tpu.memory_space<hbm>>) target_semaphore(%run_scoped3A_128 : memref<!tpu.dma_semaphore, #tpu.memory_space<semaphore_mem>>)
      %dma_wait3A = tpu.memref_slice %arg4[%add3A_115, %mul3A_117] : memref<10240x128xf32, #tpu.memory_space<hbm>> -> memref<128x64xf32, #tpu.memory_space<hbm>>
      %dma_wait3A_132 = arith.constant 0 : i32
      %dma_wait3A_133 = tpu.memref_slice %arg13[%add3A_115, %dma_wait3A_132] : memref<10240x64xf32, #tpu.memory_space<vmem_shared>> -> memref<128x64xf32, #tpu.memory_space<vmem_shared>>
      tpu.wait_dma2 semaphore(%run_scoped3A_128 : memref<!tpu.dma_semaphore, #tpu.memory_space<semaphore_mem>>) src(%dma_wait3A_133 : memref<128x64xf32, #tpu.memory_space<vmem_shared>>) dst(%dma_wait3A : memref<128x64xf32, #tpu.memory_space<hbm>>)
      tpu.yield
    }) : () -> ()
    %mul3A_118 = arith.constant 16 : i32
    %mul3A_119 = arith.muli %arg0, %mul3A_118 : i32
    "tpu.region"() ({
      %run_scoped3A_128 = tpu.sem_alloc : memref<!tpu.dma_semaphore, #tpu.memory_space<semaphore_mem>>
      %dma_start3A_129 = tpu.memref_slice %arg5[%add3A_115, %mul3A_119] : memref<10240x32xf32, #tpu.memory_space<hbm>> -> memref<128x16xf32, #tpu.memory_space<hbm>>
      %dma_start3A_130 = arith.constant 0 : i32
      %dma_start3A_131 = tpu.memref_slice %arg14[%add3A_115, %dma_start3A_130] : memref<10240x16xf32, #tpu.memory_space<vmem_shared>> -> memref<128x16xf32, #tpu.memory_space<vmem_shared>>
      tpu.enqueue_dma source(%dma_start3A_131 : memref<128x16xf32, #tpu.memory_space<vmem_shared>>) target(%dma_start3A_129 : memref<128x16xf32, #tpu.memory_space<hbm>>) target_semaphore(%run_scoped3A_128 : memref<!tpu.dma_semaphore, #tpu.memory_space<semaphore_mem>>)
      %dma_wait3A = tpu.memref_slice %arg5[%add3A_115, %mul3A_119] : memref<10240x32xf32, #tpu.memory_space<hbm>> -> memref<128x16xf32, #tpu.memory_space<hbm>>
      %dma_wait3A_132 = arith.constant 0 : i32
      %dma_wait3A_133 = tpu.memref_slice %arg14[%add3A_115, %dma_wait3A_132] : memref<10240x16xf32, #tpu.memory_space<vmem_shared>> -> memref<128x16xf32, #tpu.memory_space<vmem_shared>>
      tpu.wait_dma2 semaphore(%run_scoped3A_128 : memref<!tpu.dma_semaphore, #tpu.memory_space<semaphore_mem>>) src(%dma_wait3A_133 : memref<128x16xf32, #tpu.memory_space<vmem_shared>>) dst(%dma_wait3A : memref<128x16xf32, #tpu.memory_space<hbm>>)
      tpu.yield
    }) : () -> ()
    %mul3A_120 = arith.constant 640 : i32
    %mul3A_121 = arith.muli %arg1, %mul3A_120 : i32
    %add3A_122 = arith.constant 512 : i32
    %add3A_123 = arith.addi %mul3A_121, %add3A_122 : i32
    %mul3A_124 = arith.constant 64 : i32
    %mul3A_125 = arith.muli %arg0, %mul3A_124 : i32
    "tpu.region"() ({
      %run_scoped3A_128 = tpu.sem_alloc : memref<!tpu.dma_semaphore, #tpu.memory_space<semaphore_mem>>
      %dma_start3A_129 = tpu.memref_slice %arg4[%add3A_123, %mul3A_125] : memref<10240x128xf32, #tpu.memory_space<hbm>> -> memref<128x64xf32, #tpu.memory_space<hbm>>
      %dma_start3A_130 = arith.constant 0 : i32
      %dma_start3A_131 = tpu.memref_slice %arg13[%add3A_123, %dma_start3A_130] : memref<10240x64xf32, #tpu.memory_space<vmem_shared>> -> memref<128x64xf32, #tpu.memory_space<vmem_shared>>
      tpu.enqueue_dma source(%dma_start3A_131 : memref<128x64xf32, #tpu.memory_space<vmem_shared>>) target(%dma_start3A_129 : memref<128x64xf32, #tpu.memory_space<hbm>>) target_semaphore(%run_scoped3A_128 : memref<!tpu.dma_semaphore, #tpu.memory_space<semaphore_mem>>)
      %dma_wait3A = tpu.memref_slice %arg4[%add3A_123, %mul3A_125] : memref<10240x128xf32, #tpu.memory_space<hbm>> -> memref<128x64xf32, #tpu.memory_space<hbm>>
      %dma_wait3A_132 = arith.constant 0 : i32
      %dma_wait3A_133 = tpu.memref_slice %arg13[%add3A_123, %dma_wait3A_132] : memref<10240x64xf32, #tpu.memory_space<vmem_shared>> -> memref<128x64xf32, #tpu.memory_space<vmem_shared>>
      tpu.wait_dma2 semaphore(%run_scoped3A_128 : memref<!tpu.dma_semaphore, #tpu.memory_space<semaphore_mem>>) src(%dma_wait3A_133 : memref<128x64xf32, #tpu.memory_space<vmem_shared>>) dst(%dma_wait3A : memref<128x64xf32, #tpu.memory_space<hbm>>)
      tpu.yield
    }) : () -> ()
    %mul3A_126 = arith.constant 16 : i32
    %mul3A_127 = arith.muli %arg0, %mul3A_126 : i32
    "tpu.region"() ({
      %run_scoped3A_128 = tpu.sem_alloc : memref<!tpu.dma_semaphore, #tpu.memory_space<semaphore_mem>>
      %dma_start3A_129 = tpu.memref_slice %arg5[%add3A_123, %mul3A_127] : memref<10240x32xf32, #tpu.memory_space<hbm>> -> memref<128x16xf32, #tpu.memory_space<hbm>>
      %dma_start3A_130 = arith.constant 0 : i32
      %dma_start3A_131 = tpu.memref_slice %arg14[%add3A_123, %dma_start3A_130] : memref<10240x16xf32, #tpu.memory_space<vmem_shared>> -> memref<128x16xf32, #tpu.memory_space<vmem_shared>>
      tpu.enqueue_dma source(%dma_start3A_131 : memref<128x16xf32, #tpu.memory_space<vmem_shared>>) target(%dma_start3A_129 : memref<128x16xf32, #tpu.memory_space<hbm>>) target_semaphore(%run_scoped3A_128 : memref<!tpu.dma_semaphore, #tpu.memory_space<semaphore_mem>>)
      %dma_wait3A = tpu.memref_slice %arg5[%add3A_123, %mul3A_127] : memref<10240x32xf32, #tpu.memory_space<hbm>> -> memref<128x16xf32, #tpu.memory_space<hbm>>
      %dma_wait3A_132 = arith.constant 0 : i32
      %dma_wait3A_133 = tpu.memref_slice %arg14[%add3A_123, %dma_wait3A_132] : memref<10240x16xf32, #tpu.memory_space<vmem_shared>> -> memref<128x16xf32, #tpu.memory_space<vmem_shared>>
      tpu.wait_dma2 semaphore(%run_scoped3A_128 : memref<!tpu.dma_semaphore, #tpu.memory_space<semaphore_mem>>) src(%dma_wait3A_133 : memref<128x16xf32, #tpu.memory_space<vmem_shared>>) dst(%dma_wait3A : memref<128x16xf32, #tpu.memory_space<hbm>>)
      tpu.yield
    }) : () -> ()
    return
  }
}

module attributes {stable_mosaic.version = 14 : i64} {
  func.func @_combine_body(%arg0: i32, %arg1: memref<1000x128xf32, #tpu.memory_space<vmem>>, %arg2: memref<1000x32xf32, #tpu.memory_space<vmem>>, %arg3: memref<1000x8xf32, #tpu.memory_space<vmem>>, %arg4: memref<128x8xf32, #tpu.memory_space<vmem>>, %arg5: memref<1x128xf32, #tpu.memory_space<vmem>>, %arg6: memref<128x128xf32, #tpu.memory_space<vmem>>, %arg7: memref<1x128xf32, #tpu.memory_space<vmem>>, %arg8: memref<1000x128xf32, #tpu.memory_space<vmem>>) attributes {dimension_semantics = [#tpu.dimension_semantics<arbitrary>], iteration_bounds = array<i64: 10>, scalar_prefetch = 0 : i64, scratch_operands = 0 : i64, tpu.core_type = #tpu.core_type<tc>, window_params = [{transform_indices = @transform_0, window_bounds = array<i64: 1000, 128>}, {transform_indices = @transform_1, window_bounds = array<i64: 1000, 32>}, {transform_indices = @transform_2, window_bounds = array<i64: 1000, 8>}, {pipeline_mode = #tpu.pipeline_mode<synchronous>, transform_indices = @transform_3, window_bounds = array<i64: 128, 8>}, {pipeline_mode = #tpu.pipeline_mode<synchronous>, transform_indices = @transform_4, window_bounds = array<i64: 1, 128>}, {pipeline_mode = #tpu.pipeline_mode<synchronous>, transform_indices = @transform_5, window_bounds = array<i64: 128, 128>}, {pipeline_mode = #tpu.pipeline_mode<synchronous>, transform_indices = @transform_6, window_bounds = array<i64: 1, 128>}, {transform_indices = @transform_7, window_bounds = array<i64: 1000, 128>}]} {
    %get3A = arith.constant 0 : index
    %get3A_0 = arith.constant 0 : index
    %get3A_1 = vector.load %arg1[%get3A, %get3A_0] : memref<1000x128xf32, #tpu.memory_space<vmem>>, vector<1000x128xf32>
    %get3A_2 = arith.constant 0 : index
    %get3A_3 = arith.constant 0 : index
    %get3A_4 = vector.load %arg2[%get3A_2, %get3A_3] : memref<1000x32xf32, #tpu.memory_space<vmem>>, vector<1000x16xf32>
    %reduce_max3A = arith.constant dense<0xFF800000> : vector<1000xf32>
    %reduce_max3A_5 = vector.multi_reduction <maximumf>, %get3A_4, %reduce_max3A [1] : vector<1000x16xf32> to vector<1000xf32>
    %get3A_6 = arith.constant 0 : index
    %get3A_7 = arith.constant 16 : index
    %get3A_8 = vector.load %arg2[%get3A_6, %get3A_7] : memref<1000x32xf32, #tpu.memory_space<vmem>>, vector<1000x16xf32>
    %reduce_max3A_9 = arith.constant dense<0xFF800000> : vector<1000xf32>
    %reduce_max3A_10 = vector.multi_reduction <maximumf>, %get3A_8, %reduce_max3A_9 [1] : vector<1000x16xf32> to vector<1000xf32>
    %add3A = arith.addf %reduce_max3A_5, %reduce_max3A_10 : vector<1000xf32>
    %max3A = arith.constant 1.000000e+00 : f32
    %max3A_11 = vector.broadcast %max3A : f32 to vector<1000xf32>
    %max3A_12 = arith.maximumf %add3A, %max3A_11 : vector<1000xf32>
    %broadcast_in_dim3A = vector.shape_cast %max3A_12 : vector<1000xf32> to vector<1000x1xf32>
    %div3A = vector.broadcast %broadcast_in_dim3A : vector<1000x1xf32> to vector<1000x128xf32>
    %div3A_13 = arith.divf %get3A_1, %div3A : vector<1000x128xf32>
    %get3A_14 = arith.constant 0 : index
    %get3A_15 = arith.constant 0 : index
    %get3A_16 = vector.load %arg3[%get3A_14, %get3A_15] : memref<1000x8xf32, #tpu.memory_space<vmem>>, vector<1000x8xf32>
    %get3A_17 = arith.constant 0 : index
    %get3A_18 = arith.constant 0 : index
    %get3A_19 = vector.load %arg4[%get3A_17, %get3A_18] : memref<128x8xf32, #tpu.memory_space<vmem>>, vector<128x8xf32>
    %dot_general3A = arith.constant dense<0.000000e+00> : vector<1000x128xf32>
    %dot_general3A_20 = tpu.matmul %get3A_16, %get3A_19, %dot_general3A {dimension_numbers = #tpu.dot_dimension_numbers<[1], [1], [0], [0], [0, 0, 1, 0], [], []>, transpose_lhs_hint = false} : vector<1000x8xf32>, vector<128x8xf32>, vector<1000x128xf32> -> vector<1000x128xf32>
    %get3A_21 = arith.constant 0 : index
    %get3A_22 = arith.constant 0 : index
    %get3A_23 = vector.load %arg6[%get3A_21, %get3A_22] : memref<128x128xf32, #tpu.memory_space<vmem>>, vector<128x128xf32>
    %dot_general3A_24 = arith.constant dense<0.000000e+00> : vector<1000x128xf32>
    %dot_general3A_25 = tpu.matmul %div3A_13, %get3A_23, %dot_general3A_24 {dimension_numbers = #tpu.dot_dimension_numbers<[1], [1], [0], [0], [0, 0, 1, 0], [], []>, transpose_lhs_hint = false} : vector<1000x128xf32>, vector<128x128xf32>, vector<1000x128xf32> -> vector<1000x128xf32>
    %add3A_26 = arith.addf %dot_general3A_20, %dot_general3A_25 : vector<1000x128xf32>
    %get3A_27 = arith.constant 0 : index
    %get3A_28 = arith.constant 0 : index
    %get3A_29 = vector.load %arg5[%get3A_27, %get3A_28] : memref<1x128xf32, #tpu.memory_space<vmem>>, vector<1x128xf32>
    %add3A_30 = vector.broadcast %get3A_29 : vector<1x128xf32> to vector<1000x128xf32>
    %add3A_31 = arith.addf %add3A_26, %add3A_30 : vector<1000x128xf32>
    %get3A_32 = arith.constant 0 : index
    %get3A_33 = arith.constant 0 : index
    %get3A_34 = vector.load %arg7[%get3A_32, %get3A_33] : memref<1x128xf32, #tpu.memory_space<vmem>>, vector<1x128xf32>
    %add3A_35 = vector.broadcast %get3A_34 : vector<1x128xf32> to vector<1000x128xf32>
    %add3A_36 = arith.addf %add3A_31, %add3A_35 : vector<1000x128xf32>
    %swap3A = arith.constant 0 : index
    %swap3A_37 = arith.constant 0 : index
    %swap3A_38 = vector.load %arg8[%swap3A, %swap3A_37] : memref<1000x128xf32, #tpu.memory_space<vmem>>, vector<1000x128xf32>
    tpu.vector_store %arg8[%swap3A, %swap3A_37], %add3A_36 {strides = array<i32>} : memref<1000x128xf32, #tpu.memory_space<vmem>>, vector<1000x128xf32>,
    return
  }
  func.func @transform_0(%arg0: i32) -> (i32, i32) {
    %c0_i32 = arith.constant 0 : i32
    %c0_i32_0 = arith.constant 0 : i32
    return %arg0, %c0_i32 : i32, i32
  }
  func.func @transform_1(%arg0: i32) -> (i32, i32) {
    %c0_i32 = arith.constant 0 : i32
    %c0_i32_0 = arith.constant 0 : i32
    return %arg0, %c0_i32 : i32, i32
  }
  func.func @transform_2(%arg0: i32) -> (i32, i32) {
    %c0_i32 = arith.constant 0 : i32
    %c0_i32_0 = arith.constant 0 : i32
    return %arg0, %c0_i32 : i32, i32
  }
  func.func @transform_3(%arg0: i32) -> (i32, i32) {
    %c0_i32 = arith.constant 0 : i32
    %c0_i32_0 = arith.constant 0 : i32
    %c0_i32_1 = arith.constant 0 : i32
    return %c0_i32, %c0_i32_0 : i32, i32
  }
  func.func @transform_4(%arg0: i32) -> (i32, i32) {
    %c0_i32 = arith.constant 0 : i32
    %c0_i32_0 = arith.constant 0 : i32
    %c0_i32_1 = arith.constant 0 : i32
    return %c0_i32, %c0_i32_0 : i32, i32
  }
  func.func @transform_5(%arg0: i32) -> (i32, i32) {
    %c0_i32 = arith.constant 0 : i32
    %c0_i32_0 = arith.constant 0 : i32
    %c0_i32_1 = arith.constant 0 : i32
    return %c0_i32, %c0_i32_0 : i32, i32
  }
  func.func @transform_6(%arg0: i32) -> (i32, i32) {
    %c0_i32 = arith.constant 0 : i32
    %c0_i32_0 = arith.constant 0 : i32
    %c0_i32_1 = arith.constant 0 : i32
    return %c0_i32, %c0_i32_0 : i32, i32
  }
  func.func @transform_7(%arg0: i32) -> (i32, i32) {
    %c0_i32 = arith.constant 0 : i32
    %c0_i32_0 = arith.constant 0 : i32
    return %arg0, %c0_i32 : i32, i32
  }
}

</mosaic_0001>

<sc_bundles>
// kernel: kernel.4.cloned.1.call-start
scs
__scs_entry_jumppad:
0x0: {  	(pc) =	sbr.rel $0x88, $3  }
0x1: {  	(tag) =	ssettag $0x0;
	lr =	simm.s32 $0x1  }
0x2: {  	[smem:$0x3F9A] =	sst lr;
	_ =	strace $0xD0000000  }
0x3: {  	_ = 	snop  }
0x4: {  	_ = 	snop  }
0x5: {  	_ = 	snop  }
0x6: {  	_ = 	snop  }
0x7: {  	_ = 	snop  }
__scs_overlays_trampoline_lowered:
0x8: {  	[smem:$0x3FA9] =	sst s0  }
0x9: {  	[smem:$0x3FAA] =	sst s1  }
0xa: {  	[smem:$0x3FAB] =	sst s2  }
0xb: {  	[smem:$0x3FAC] =	sst s3  }
0xc: {  	[smem:$0x3FAD] =	sst s4  }
0xd: {  	[smem:$0x3FAE] =	sst s5  }
0xe: {  	[smem:$0x3FAF] =	sst s6  }
0xf: {  	[smem:$0x3FB0] =	sst s7  }
0x10: {  	[smem:$0x3FB1] =	sst s8  }
0x11: {  	[smem:$0x3FB2] =	sst s9;
	s0 =	simm.s32 @!p0 $0x0  }
0x12: {  	s1 =	sld [smem:$0x3F98];
	s0 =	simm.s32 @p0 $0x1  }
0x13: {  	[smem:$0x3FB3] =	sst s0;
	s0 =	simm.s32 @!p1 $0x0  }
0x14: {  	s2 =	sld [smem:$0x3F97];
	s0 =	simm.s32 @p1 $0x1  }
0x15: {  	[smem:$0x3FB4] =	sst s0;
	s0 =	simm.s32 @!p2 $0x0  }
0x16: {  	s3 =	sld [smem:$0x3FDB];
	s0 =	simm.s32 @p2 $0x1  }
0x17: {  	s4 =	simm.s32 $0x1BF5;
	[smem:$0x3FB6] =	sst s0  }
0x18: {  	s0 =	sld [smem:$0x3F99];
	_ =	swait.ge [sflag:s4], $0x0  }
0x19: {  	s7 =	sld [smem:$0x3F9A]  }
0x1a: {  	s8 =	sadd.s32 $0xFFFFE003, lr  }
0x1b: {  	s9 =	sadd.s32 $0xFFFFFEF7, lr;
	s5 =	simm.s32 $0xFFFFFFFF;
	p2 =	slt.u32 s8, $0xFFFFF086  }
0x1c: {  	p1 =	slt.u32 s9, $0xF7A;
	s5 =	simm.s32 @!p2 $0x0  }
0x1d: {  	s5 =	simm.s32 @p1 $0x1;
	p0 =	seq.s32 s7, s2  }
0x1e: {  	s7 =	smul.u32 @!p0 $0xF7A, s2;
	p2 =	seq.s32 @!p0 s5, $0x0  }
0x1f: {  	s9 =	smul.u32 $0xF7A, s1;
	s8 =	simm.s32 @!p0 $0x1BF5;
	p2 =	por !p2, p0  }
0x20: {  	[sflag:s8] =	ssyncset.s32 @!p0 $0xFFFFF086;
	s6 =	sadd.s32 @!p0 s3, s7;
	s7 =	simm.s32 @!p0 $0x108  }
0x21: {  	s3 =	sadd.s32 s3, s9;
	s6 =	sadd.s32 @!p0 $0x88, s6;
	s7 =	simm.s32 @p2 $0x1082  }
0x22: {  	[simem:s7], [sflag:s8] =	dma.local @!p0 [hbm:s6], $0xF7A  }
0x23: {  	s9 =	sor.u32 $0xD0000000, s2;
	s6 =	simm.s32 $0x108;
	_ =	swait.ge @!p0 [sflag:s8], $0x0  }
0x24: {  	s3 =	sadd.s32 $0x88, s3;
	s6 =	simm.s32 @!p1 $0x1082;
	[sflag:s4] =	ssyncset.s32 $0xFFFFF086  }
0x25: {  	[simem:s6], [sflag:s4] =	dma.local [hbm:s3], $0xF7A  }
0x26: {  	[smem:$0x3F9A] =	sst s1;
	(tag) =	ssettag s2;
	_ =	strace s9  }
0x27: {  	s1 =	sld [smem:$0x3FAA]  }
0x28: {  	s2 =	sld [smem:$0x3FAB]  }
0x29: {  	s4 =	sld [smem:$0x3FAD]  }
0x2a: {  	p0 =	seq.s32 s5, $0x0;
	s5 =	sld [smem:$0x3FAE]  }
0x2b: {  	s6 =	sld [smem:$0x3FAF]  }
0x2c: {  	s7 =	sld [smem:$0x3FB0]  }
0x2d: {  	s3 =	simm.s32 $0x108;
	s8 =	sld [smem:$0x3FB1]  }
0x2e: {  	s3 =	simm.s32 @!p0 $0x1082;
	s9 =	sld [smem:$0x3FB2]  }
0x2f: {  	lr =	sadd.s32 s0, s3;
	s0 =	sld [smem:$0x3FA9]  }
0x30: {  	s3 =	sld [smem:$0x3FAC]  }
0x31: {  	[smem:$0x3FB5] =	sst s10  }
0x32: {  	s10 =	sld [smem:$0x3FB3];
	_ =	sdelay $0x3  }
0x33: {  	p0 =	seq.s32 s10, $0x1;
	s10 =	sld [smem:$0x3FB5];
	_ =	sdelay $0x3  }
0x34: {  	[smem:$0x3FB5] =	sst s10  }
0x35: {  	s10 =	sld [smem:$0x3FB4];
	_ =	sdelay $0x3  }
0x36: {  	p1 =	seq.s32 s10, $0x1;
	s10 =	sld [smem:$0x3FB5];
	_ =	sdelay $0x3  }
0x37: {  	[smem:$0x3FB5] =	sst s10  }
0x38: {  	s10 =	sld [smem:$0x3FB6]  }
0x39: {  	_ = 	snop;
	(pc) =	sbr.ind lr, $3  }
0x3a: {  	_ = 	snop  }
0x3b: {  	_ = 	snop  }
0x3c: {  	p2 =	seq.s32 s10, $0x1;
	s10 =	sld [smem:$0x3FB5]  }
0x3d: {  	_ =	shalt  }
0x3e: {  	_ =	shalt  }
0x3f: {  	_ =	shalt  }
0x40: {  	_ =	shalt  }
0x41: {  	_ =	shalt  }
0x42: {  	_ =	shalt  }
0x43: {  	_ =	shalt  }
0x44: {  	_ =	shalt  }
0x45: {  	_ =	shalt  }
0x46: {  	_ =	shalt  }
0x47: {  	_ =	shalt  }
0x48: {  	_ =	shalt  }
0x49: {  	_ =	shalt  }
0x4a: {  	_ =	shalt  }
0x4b: {  	_ =	shalt  }
0x4c: {  	_ =	shalt  }
0x4d: {  	_ =	shalt  }
0x4e: {  	_ =	shalt  }
0x4f: {  	_ =	shalt  }
0x50: {  	_ =	shalt  }
0x51: {  	_ =	shalt  }
0x52: {  	_ =	shalt  }
0x53: {  	_ =	shalt  }
0x54: {  	_ =	shalt  }
0x55: {  	_ =	shalt  }
0x56: {  	_ =	shalt  }
0x57: {  	_ =	shalt  }
0x58: {  	_ =	shalt  }
0x59: {  	_ =	shalt  }
0x5a: {  	_ =	shalt  }
0x5b: {  	_ =	shalt  }
0x5c: {  	_ =	shalt  }
0x5d: {  	_ =	shalt  }
0x5e: {  	_ =	shalt  }
0x5f: {  	_ =	shalt  }
0x60: {  	_ =	shalt  }
0x61: {  	_ =	shalt  }
0x62: {  	_ =	shalt  }
0x63: {  	_ =	shalt  }
0x64: {  	_ =	shalt  }
0x65: {  	_ =	shalt  }
0x66: {  	_ =	shalt  }
0x67: {  	_ =	shalt  }
0x68: {  	_ =	shalt  }
0x69: {  	_ =	shalt  }
0x6a: {  	_ =	shalt  }
0x6b: {  	_ =	shalt  }
0x6c: {  	_ =	shalt  }
0x6d: {  	_ =	shalt  }
0x6e: {  	_ =	shalt  }
0x6f: {  	_ =	shalt  }
0x70: {  	_ =	shalt  }
0x71: {  	_ =	shalt  }
0x72: {  	_ =	shalt  }
0x73: {  	_ =	shalt  }
0x74: {  	_ =	shalt  }
0x75: {  	_ =	shalt  }
0x76: {  	_ =	shalt  }
0x77: {  	_ =	shalt  }
0x78: {  	_ =	shalt  }
0x79: {  	_ =	shalt  }
0x7a: {  	_ =	shalt  }
0x7b: {  	_ =	shalt  }
0x7c: {  	_ =	shalt  }
0x7d: {  	_ =	shalt  }
0x7e: {  	_ =	shalt  }
0x7f: {  	_ =	shalt  }
0x80: {  	_ =	shalt  }
0x81: {  	_ =	shalt  }
0x82: {  	_ =	shalt  }
0x83: {  	_ =	shalt  }
0x84: {  	_ =	shalt  }
0x85: {  	_ =	shalt  }
0x86: {  	_ =	shalt  }
0x87: {  	_ =	shalt  }
.Lfunc_end0:
.L_simem_size_0:
called_computation_lowered:
.L_overlay_start_0:
0x88: {  	s2 =	sld [smem:$0x3FD9]  }
0x89: {  	s3 =	sld [smem:$0x3FFE];
	_ =	sdelay $0x1  }
0x8a: {  	s1 =	srdreg.scid  }
0x8b: {  	s0 =	sand.u32 $0x1, s1  }
0x8c: {  	s17 =	sshll.u32 s0, $0xA;
	s2 =	sadd.s32 s3, s2  }
0x8d: {  	s2 =	sadd.s32 s2, s17  }
0x8e: {  	[smem:$0x3FC1] =	sst s2  }
0x8f: {  	_ = 	snop  }
0x90: {  	s2 =	sld [smem:$0x3FD0];
	(tm) =	ssettm $0x1  }
0x91: {  	s18 =	sld [smem:$0x3FFB];
	_ =	sdelay $0x3  }
0x92: {  	_ =	strace s18  }
0x93: {  	s3 =	sld [smem:$0x3FFC];
	_ =	sdelay $0x3  }
0x94: {  	_ =	strace s3  }
0x95: {  	s3 =	sld [smem:$0x3FFD];
	_ =	sdelay $0x3  }
0x96: {  	_ =	strace s3  }
0x97: {  	_ =	strace $0x8FFFFFFF  }
0x98: {  	s19 =	sld [smem:$0x3FDB];
	_ =	sdelay $0x1  }
0x99: {  	s4 =	simm.s32 $_scs_section_size  }
0x9a: {  	s5 =	simm.s32 $_size__tile_overlayer_lowered;
	s6 =	simm.s32 $_tile_overlayer_lowered  }
0x9b: {  	s22 =	simm.s32 $0x1BFF;
	s21 =	sshll.u32 s6, $0x1;
	s3 =	sadd.s32 s4, s19  }
0x9c: {  	s7 =	simm.s32 $0x0;
	s20 =	sshll.u32 s5, $0x1;
	s5 =	sadd.s32 s21, s3  }
0x9d: {  	[timem:s7], [sflag:s22] =	dma.local [hbm:s5], s20  }
0x9e: {  	_ =	swait.ge [sflag:s22], s20  }
0x9f: {  	s4 =	ssub.s32 $0x0, s20;
	[sflag:s22] =	ssyncset.done $0x0  }
0xa0: {  	[sflag:s22] =	ssyncadd.s32 s4;
	_ =	sdelay $0x1  }
0xa1: {  	s23 =	simm.s32 $0x1B8B  }
0xa2: {  	_ =	swait.ge [sflag:s23], $0x1  }
0xa3: {  	[sflag:s23] =	ssyncset.done $0x0  }
0xa4: {  	s25 =	simm.s32 $0x1B8E;
	s24 =	sld [smem:$0x3FFE];
	[sflag:s23] =	ssyncadd.s32 $0xFFFFFFFF  }
0xa5: {  	s26 =	simm.s32 $execute0_lowered;
	[smem:$0x3FD2] =	sst s25  }
0xa6: {  	s5 =	sshll.u32 s26, $0x1;
	_ =	strace $0x80000046;
	[dreg:$0x1] =	wrdreg $0xFFFFFFFF  }
0xa7: {  	s28 =	simm.s32 $_size_execute0_lowered;
	s3 =	sadd.s32 s3, s5;
	[dreg:$0x0] =	wrdreg $0x0  }
0xa8: {  	s5 =	sshll.u32 s28, $0x1;
	[dreg:$0x2] =	wrdreg s3  }
0xa9: {  	[dreg:$0x3] =	wrdreg s5  }
0xaa: {  	[dreg:$0x4] =	wrdreg $0xC0  }
0xab: {  	_ =	task [dreg:s7], $0x5FFFF  }
0xac: {  	[dreg:$0x1] =	wrdreg $0xFFFFFFFF  }
0xad: {  	[dreg:$0x0] =	wrdreg $0x60  }
0xae: {  	[dreg:$0x2] =	wrdreg s2  }
0xaf: {  	[dreg:$0x3] =	wrdreg s24  }
0xb0: {  	[dreg:$0x4] =	wrdreg $0xBE500  }
0xb1: {  	[dreg:$0x5] =	wrdreg $0x15E500  }
0xb2: {  	[dreg:$0x6] =	wrdreg $0x9  }
0xb3: {  	_ =	task.clear_ibuf [dreg:s7], $0x7FFFF;
	_ =	strace $0x90000046  }
0xb4: {  	s29 =	simm.s32 $0x9;
	_ =	strace $0x80000048  }
0xb5: {  	_ =	swait.ge [sflag:s29], $0x1  }
0xb6: {  	[sflag:s29] =	ssyncadd.s32 $0xFFFFFFFF  }
0xb7: {  	_ =	strace $0x90000048  }
0xb8: {  	_ =	sfence  }
0xb9: {  	s30 =	sld [smem:$0x0];
	_ =	sdelay $0x2  }
0xba: {  	s31 =	sshll.u32 s1, $0xD;
	s1 =	sshrl.u32 s1, $0x2  }
0xbb: {  	s3 =	sand.u32 $0x4000, s31;
	s1 =	sadd.s32 s1, s30  }
0xbc: {  	s0 =	sor.u32 s3, s0;
	s1 =	sshll.u32 s1, $0x11  }
0xbd: {  	s0 =	sor.u32 s1, s0  }
0xbe: {  	s0 =	sadd.s32 $0x8F2B, s0  }
0xbf: {  	[sflag:s0] =	ssyncadd.remote.s32 $0x1  }
0xc0: {  	_ =	sfence.sel $0xFFFF  }
0xc1: {  	[dreg:$0x0] =	wrdreg $0xFFFFFFFF;
	(pc) =	sbr.abs _section_cstart, $3  }
0xc2: {  	[dreg:$0x1] =	wrdreg $0xFFFFFFFF  }
0xc3: {  	_ =	task.clear_ibuf [dreg:s7], $0x2FFFF;
	_ =	strace $0x9FFFFFFF  }
0xc4: {  	(tm) =	ssettm $0x7FFFFFFF  }
0xc5: {  	_ =	shalt  }
tec
execute0_lowered:
.L_overlay_start_1:
0x0: {  	(tag) =	ssettag $0x1  }
0x1: {  	s4 =	rddreg [dreg:$0x0]  }
0x2: {  	s0 =	rddreg [dreg:$0x1]  }
0x3: {  	s2 =	rddreg [dreg:$0x2]  }
0x4: {  	s3 =	rddreg [dreg:$0x3]  }
0x5: {  	s1 =	srdreg.scid;
	s25 =	stileid.u32  }
0x6: {  	s31 =	simm.s32 $0x3;
	s7 =	sand.u32 $0x1, s1;
	s5 =	smul.u32 $0x280, s25  }
0x7: {  	s9 =	sadd.s32 $0x1F800, s0;
	s10 =	sadd.s32 $0x15800, s0;
	s11 =	smul.u32 $0x28000, s25  }
0x8: {  	s14 =	smul.u32 $0x14000, s25;
	s28 =	sadd.s32 $0xB800, s0;
	s1 =	ssub.s32 $0x2, s7  }
0x9: {  	s19 =	smul.u32 $0x13880, s7;
	s15 =	sshll.u32 s7, $0x6;
	s17 =	sshll.u32 s7, $0x4  }
0xa: {  	p0 =	sne.s32 s7, $0x0;
	p1 =	seq.s32 s7, $0x0;
	s6 =	sshrl.u32 s1, $0x1  }
0xb: {  	s12 =	sadd.s32 $0x80, s5;
	s13 =	sadd.s32 $0x100, s5;
	s8 =	sadd.s32 $0x180, s5  }
0xc: {  	s5 =	sadd.s32 $0x200, s5;
	s14 =	sor.u32 s15, s14;
	s1 =	ssub.s32 s1, s6  }
0xd: {  	s4 =	sadd.s32 s4, s19;
	s6 =	smul.u32 $0x5000, s25;
	s16 =	sshll.u32 s12, $0x7  }
0xe: {  	s14 =	sshrl.u32 s14, $0x3;
	s20 =	sshll.u32 s12, $0x5;
	s18 =	sshll.u32 s13, $0x7  }
0xf: {  	s19 =	sshll.u32 s8, $0x7;
	s22 =	sshll.u32 s13, $0x5;
	s23 =	sshll.u32 s8, $0x5  }
0x10: {  	s24 =	sshll.u32 s5, $0x5;
	s16 =	sor.u32 s15, s16;
	s14 =	sadd.s32 s9, s14  }
0x11: {  	s18 =	sor.u32 s15, s18;
	s19 =	sor.u32 s15, s19;
	s26 =	sor.u32 s17, s22  }
0x12: {  	[dreg:$0x5] =	wrdreg s14;
	s14 =	sor.u32 s17, s6;
	s16 =	sshrl.u32 s16, $0x3  }
0x13: {  	s18 =	sshrl.u32 s18, $0x3;
	s21 =	sshrl.u32 s19, $0x3;
	s19 =	smul.u32 $0xA000, s25  }
0x14: {  	s16 =	sadd.s32 s9, s16;
	s18 =	sadd.s32 s9, s18;
	s14 =	sshrl.u32 s14, $0x3  }
0x15: {  	[dreg:$0x6] =	wrdreg s16;
	s16 =	sor.u32 s17, s20;
	s20 =	sshll.u32 s5, $0x7  }
0x16: {  	[dreg:$0x7] =	wrdreg s18;
	s18 =	sadd.s32 s9, s21;
	s14 =	sadd.s32 s10, s14  }
0x17: {  	s21 =	sshrl.u32 s26, $0x3;
	s26 =	sshll.u32 s12, $0x6;
	s15 =	sor.u32 s15, s20  }
0x18: {  	[dreg:$0x8] =	wrdreg s18;
	s18 =	sor.u32 s17, s23;
	s16 =	sshrl.u32 s16, $0x3  }
0x19: {  	[dreg:$0xa] =	wrdreg s14;
	s14 =	sadd.s32 s10, s21;
	s23 =	sshrl.u32 s11, $0x2  }
0x1a: {  	s7 =	sadd.s32 s26, s2;
	s11 =	sshll.u32 s13, $0x4;
	s15 =	sshrl.u32 s15, $0x3  }
0x1b: {  	s20 =	sadd.s32 s10, s16;
	[dreg:$0xc] =	wrdreg s14;
	s22 =	sshrl.u32 s18, $0x3  }
0x1c: {  	s29 =	sadd.s32 s23, s2;
	s21 =	sadd.s32 s11, s3;
	s16 =	sshrl.u32 s6, $0x3  }
0x1d: {  	s6 =	simm.s32 $0xB650;
	s9 =	sadd.s32 s9, s15;
	[dreg:$0xb] =	wrdreg s20  }
0x1e: {  	s11 =	simm.s32 $0x1;
	s14 =	sadd.s32 s10, s22;
	[dreg:$0x9] =	wrdreg s9  }
0x1f: {  	s15 =	simm.s32 $0x0;
	s18 =	sadd.s32 $0x500, s16;
	[dreg:$0xd] =	wrdreg s14  }
0x20: {  	s9 =	sor.u32 s17, s24;
	[smem:$0x7FF] =	sst s15;
	s24 =	sshrl.u32 s19, $0x2  }
0x21: {  	s14 =	smul.u32 $0xA00, s25;
	s17 =	sadd.s32 $0x1800, s0;
	s25 =	smax.u32 s1, $0x1  }
0x22: {  	s1 =	simm.s32 $0x9650;
	s9 =	sshrl.u32 s9, $0x3;
	s30 =	sadd.s32 s24, s3  }
0x23: {  	s0 =	sadd.s32 s17, s18;
	s9 =	sadd.s32 s10, s9;
	s10 =	sshll.u32 s13, $0x6  }
0x24: {  	s13 =	sshll.u32 s5, $0x6;
	s5 =	sshll.u32 s5, $0x4;
	s19 =	sadd.s32 s17, s14  }
0x25: {  	[dreg:$0xe] =	wrdreg s9;
	s9 =	sshll.u32 s12, $0x4;
	s20 =	sadd.s32 s10, s2  }
0x26: {  	s12 =	sshll.u32 s8, $0x6;
	_ =	strace $0x80000047;
	[dreg:$0xf] =	wrdreg s7  }
0x27: {  	s8 =	sshll.u32 s8, $0x4;
	s24 =	sadd.s32 s13, s2;
	[dreg:$0x10] =	wrdreg s14  }
0x28: {  	s26 =	sadd.s32 s5, s3;
	s5 =	simm.s32 $0x4;
	[dreg:$0x12] =	wrdreg s19  }
.Ltmp0:
0x29: {  	s10 =	simm.s32 $0x6F40;
	[dreg:$0x11] =	wrdreg s18;
	(pc) =	sbr.rel .LBB2_1-.Ltmp0, $4  }
0x2a: {  	s13 =	simm.s32 $0x8;
	s7 =	sadd.s32 s9, s3;
	[dreg:$0x13] =	wrdreg s0  }
0x2b: {  	s22 =	sadd.s32 s12, s2;
	s23 =	sadd.s32 s8, s3;
	[dreg:$0x14] =	wrdreg s25  }
0x2c: {  	s8 =	simm.s32 $0x7D;
	s9 =	simm.s32 $0x5000;
	s12 =	simm.s32 $0x2  }
0x2d: {  	v0 =	vimm.f32 $0.0e+00;
	v1 =	vimm.f32 $1.000000000e+00;
	s19 =	simm.s32 $0x4F80;
	s0 =	simm.s32 $0x10;
	[dreg:$0x15] =	wrdreg s7  }
.LBB2_18:
0x2e: {  	_ =	swait.ge [sflag:s12], $0x1F40  }
0x2f: {  	[sflag:s12] =	ssyncset.done $0x0  }
0x30: {  	[sflag:s12] =	ssyncadd.s32 $0xFFFFE0C0  }
0x31: {  	[spmem:s2] =	stream.indirect.scatter.add.f32 [tilespmem:s10], [sflag:$0x4], $0x40, s19, s8, $0xb8;
	[tilespmem:$0x18650] =	vst v63  }
0x32: {  	_ =	swait.ge [sflag:s5], $0x1F40  }
0x33: {  	[sflag:s5] =	ssyncset.done $0x0  }
0x34: {  	s29 =	smov.u32 s17;
	s30 =	smov.u32 s18;
	[sflag:s5] =	ssyncadd.s32 $0xFFFFE0C0  }
.LBB2_19:
0x35: {  	s7 =	stileid.u32  }
0x36: {  	[bflag:$0x0] =	sbarrier.arrive $0xFFFF;
	s7 =	sshll.u32 s7, $0x6  }
0x37: {  	s14 =	sshrl.u32 s29, $0x3;
	s16 =	rddreg [dreg:$0x5];
	s7 =	sor.u32 $0x1C04, s7  }
0x38: {  	[hbm:s16@s0], [sflag:s7] =	dma.strided [spmem:s14@s13], $0x400, s11, $0x8   }
0x39: {  	_ =	swait.ge [sflag:s5], $0x400  }
0x3a: {  	[sflag:s5] =	ssyncset.done $0x0  }
0x3b: {  	s16 =	sshrl.u32 s30, $0x3;
	s17 =	rddreg [dreg:$0xa];
	[sflag:s5] =	ssyncadd.s32 $0xFFFFFC00  }
0x3c: {  	[hbm:s17@s5], [sflag:s7] =	dma.strided [spmem:s16@s12], $0x100, s11, $0x2   }
0x3d: {  	_ =	swait.ge [sflag:s5], $0x100  }
0x3e: {  	[sflag:s5] =	ssyncset.done $0x0;
	s18 =	rddreg [dreg:$0xf]  }
0x3f: {  	s25 =	rddreg [dreg:$0x6];
	[sflag:s5] =	ssyncadd.s32 $0xFFFFFF00;
	s14 =	sshrl.u32 s18, $0x3  }
0x40: {  	[hbm:s25@s0], [sflag:s7] =	dma.strided [spmem:s14@s13], $0x400, s11, $0x8   }
0x41: {  	_ =	swait.ge [sflag:s5], $0x400  }
0x42: {  	[sflag:s5] =	ssyncset.done $0x0;
	s16 =	rddreg [dreg:$0x15]  }
0x43: {  	s17 =	rddreg [dreg:$0xb];
	[sflag:s5] =	ssyncadd.s32 $0xFFFFFC00;
	s14 =	sshrl.u32 s16, $0x3  }
0x44: {  	[hbm:s17@s5], [sflag:s7] =	dma.strided [spmem:s14@s12], $0x100, s11, $0x2   }
0x45: {  	_ =	swait.ge [sflag:s5], $0x100  }
0x46: {  	[sflag:s5] =	ssyncset.done $0x0  }
0x47: {  	s18 =	sshrl.u32 s20, $0x3;
	s25 =	rddreg [dreg:$0x7];
	[sflag:s5] =	ssyncadd.s32 $0xFFFFFF00  }
0x48: {  	[hbm:s25@s0], [sflag:s7] =	dma.strided [spmem:s18@s13], $0x400, s11, $0x8   }
0x49: {  	_ =	swait.ge [sflag:s5], $0x400  }
0x4a: {  	[sflag:s5] =	ssyncset.done $0x0  }
0x4b: {  	s16 =	sshrl.u32 s21, $0x3;
	s17 =	rddreg [dreg:$0xc];
	[sflag:s5] =	ssyncadd.s32 $0xFFFFFC00  }
0x4c: {  	[hbm:s17@s5], [sflag:s7] =	dma.strided [spmem:s16@s12], $0x100, s11, $0x2   }
0x4d: {  	_ =	swait.ge [sflag:s5], $0x100  }
0x4e: {  	[sflag:s5] =	ssyncset.done $0x0  }
0x4f: {  	s18 =	sshrl.u32 s22, $0x3;
	s25 =	rddreg [dreg:$0x8];
	[sflag:s5] =	ssyncadd.s32 $0xFFFFFF00  }
0x50: {  	[hbm:s25@s0], [sflag:s7] =	dma.strided [spmem:s18@s13], $0x400, s11, $0x8   }
0x51: {  	_ =	swait.ge [sflag:s5], $0x400  }
0x52: {  	[sflag:s5] =	ssyncset.done $0x0  }
0x53: {  	s16 =	sshrl.u32 s23, $0x3;
	s17 =	rddreg [dreg:$0xd];
	[sflag:s5] =	ssyncadd.s32 $0xFFFFFC00  }
0x54: {  	[hbm:s17@s5], [sflag:s7] =	dma.strided [spmem:s16@s12], $0x100, s11, $0x2   }
0x55: {  	_ =	swait.ge [sflag:s5], $0x100  }
0x56: {  	[sflag:s5] =	ssyncset.done $0x0  }
0x57: {  	s18 =	sshrl.u32 s24, $0x3;
	s25 =	rddreg [dreg:$0x9];
	[sflag:s5] =	ssyncadd.s32 $0xFFFFFF00  }
0x58: {  	[hbm:s25@s0], [sflag:s7] =	dma.strided [spmem:s18@s13], $0x400, s11, $0x8   }
0x59: {  	_ =	swait.ge [sflag:s5], $0x400  }
0x5a: {  	[sflag:s5] =	ssyncset.done $0x0  }
0x5b: {  	s17 =	sshrl.u32 s26, $0x3;
	s18 =	rddreg [dreg:$0xe];
	[sflag:s5] =	ssyncadd.s32 $0xFFFFFC00  }
0x5c: {  	[hbm:s18@s5], [sflag:s7] =	dma.strided [spmem:s17@s12], $0x100, s11, $0x2   }
0x5d: {  	_ =	swait.ge [sflag:s5], $0x100  }
0x5e: {  	s15 =	sadd.s32 $0x1, s15;
	s25 =	rddreg [dreg:$0x14]  }
0x5f: {  	p2 =	sne.s32 s15, s25  }
.Ltmp1:
0x60: {  	_ = 	snop;
	(pc) =	sbr.rel @!p2 .LBB2_20-.Ltmp1, $3  }
0x61: {  	_ =	sdelay $0x1  }
0x62: {  	[sflag:s5] =	ssyncset.done $0x0  }
0x63: {  	[sflag:s5] =	ssyncadd.s32 $0xFFFFFF00  }
.LBB2_1:
0x64: {  	s7 =	simm.s32 $0x9670;
	s14 =	simm.s32 $0x0  }
.LBB2_2:
0x65: {  	p2 =	sne.s32 s14, $0x1FC0  }
.Ltmp2:
0x66: {  	[tilespmem:s7+$0xFFFFFFE0] =	vst v0;
	(pc) =	sbr.rel @p2 .LBB2_2-.Ltmp2, $4  }
0x67: {  	[tilespmem:s7+$0xFFFFFFF0] =	vst v0  }
0x68: {  	[tilespmem:s7+$0x0] =	vst v0  }
0x69: {  	[tilespmem:s7+$0x10] =	vst v0;
	s25 =	sshra.s32 s14, $0x2  }
0x6a: {  	s7 =	sadd.s32 $0x40, s7;
	s14 =	sadd.s32 $0x40, s14;
	[tilespmem:s25+$0xB650] =	vst v0  }
0x6b: {  	s7 =	simm.s32 $0x40;
	s14 =	simm.s32 $0x0  }
.LBB2_4:
0x6c: {  	p2 =	sne.s32 s7, $0x1F00;
	[tilespmem:s14+$0x8E80] =	vst v1;
	s14 =	smov.u32 s7;
	s7 =	sadd.s32 $0x40, s7  }
.Ltmp3:
0x6d: {  	(pc) =	sbr.rel @p2 .LBB2_4-.Ltmp3, $2  }
0x6e: {  	_ =	sdelay $0x2  }
0x6f: {  	s14 =	sshra.s32 s14, $0x2  }
0x70: {  	[tilespmem:s14+$0x8E80] =	vst v1  }
0x71: {  	[spmem:s29] =	stream.linear.scatter [tilespmem:s1], [sflag:$0x4], $0x2000, $0x38;
	[tilespmem:$0x18650] =	vst v63  }
0x72: {  	_ =	swait.ge [sflag:s5], $0x2000  }
0x73: {  	[sflag:s5] =	ssyncset.done $0x0  }
0x74: {  	[sflag:s5] =	ssyncadd.s32 $0xFFFFE000  }
0x75: {  	[spmem:s30] =	stream.linear.scatter [tilespmem:s6], [sflag:$0x4], $0x800, $0x38;
	[tilespmem:$0x18650] =	vst v63  }
0x76: {  	_ =	swait.ge [sflag:s5], $0x800  }
0x77: {  	[sflag:s5] =	ssyncset.done $0x0  }
0x78: {  	s7 =	rddreg [dreg:$0xf];
	[sflag:s5] =	ssyncadd.s32 $0xFFFFF800  }
0x79: {  	[spmem:s7] =	stream.linear.scatter [tilespmem:s1], [sflag:$0x4], $0x2000, $0x38;
	[tilespmem:$0x18650] =	vst v63  }
0x7a: {  	_ =	swait.ge [sflag:s5], $0x2000  }
0x7b: {  	[sflag:s5] =	ssyncset.done $0x0  }
0x7c: {  	s14 =	rddreg [dreg:$0x15];
	[sflag:s5] =	ssyncadd.s32 $0xFFFFE000  }
0x7d: {  	[spmem:s14] =	stream.linear.scatter [tilespmem:s6], [sflag:$0x4], $0x800, $0x38;
	[tilespmem:$0x18650] =	vst v63  }
0x7e: {  	_ =	swait.ge [sflag:s5], $0x800  }
0x7f: {  	[sflag:s5] =	ssyncset.done $0x0  }
0x80: {  	[sflag:s5] =	ssyncadd.s32 $0xFFFFF800  }
0x81: {  	[spmem:s20] =	stream.linear.scatter [tilespmem:s1], [sflag:$0x4], $0x2000, $0x38;
	[tilespmem:$0x18650] =	vst v63  }
0x82: {  	_ =	swait.ge [sflag:s5], $0x2000  }
0x83: {  	[sflag:s5] =	ssyncset.done $0x0  }
0x84: {  	[sflag:s5] =	ssyncadd.s32 $0xFFFFE000  }
0x85: {  	[spmem:s21] =	stream.linear.scatter [tilespmem:s6], [sflag:$0x4], $0x800, $0x38;
	[tilespmem:$0x18650] =	vst v63  }
0x86: {  	_ =	swait.ge [sflag:s5], $0x800  }
0x87: {  	[sflag:s5] =	ssyncset.done $0x0  }
0x88: {  	[sflag:s5] =	ssyncadd.s32 $0xFFFFF800  }
0x89: {  	[spmem:s22] =	stream.linear.scatter [tilespmem:s1], [sflag:$0x4], $0x2000, $0x38;
	[tilespmem:$0x18650] =	vst v63  }
0x8a: {  	_ =	swait.ge [sflag:s5], $0x2000  }
0x8b: {  	[sflag:s5] =	ssyncset.done $0x0  }
0x8c: {  	[sflag:s5] =	ssyncadd.s32 $0xFFFFE000  }
0x8d: {  	[spmem:s23] =	stream.linear.scatter [tilespmem:s6], [sflag:$0x4], $0x800, $0x38;
	[tilespmem:$0x18650] =	vst v63  }
0x8e: {  	_ =	swait.ge [sflag:s5], $0x800  }
0x8f: {  	[sflag:s5] =	ssyncset.done $0x0  }
0x90: {  	[sflag:s5] =	ssyncadd.s32 $0xFFFFF800  }
0x91: {  	[spmem:s24] =	stream.linear.scatter [tilespmem:s1], [sflag:$0x4], $0x2000, $0x38;
	[tilespmem:$0x18650] =	vst v63  }
0x92: {  	_ =	swait.ge [sflag:s5], $0x2000  }
0x93: {  	[sflag:s5] =	ssyncset.done $0x0  }
0x94: {  	[sflag:s5] =	ssyncadd.s32 $0xFFFFE000  }
0x95: {  	[spmem:s26] =	stream.linear.scatter [tilespmem:s6], [sflag:$0x4], $0x800, $0x38;
	[tilespmem:$0x18650] =	vst v63  }
0x96: {  	_ =	swait.ge [sflag:s5], $0x800  }
0x97: {  	[sflag:s5] =	ssyncset.done $0x0  }
0x98: {  	[sflag:s5] =	ssyncadd.s32 $0xFFFFF800  }
0x99: {  	[bflag:$0x0] =	sbarrier.arrive $0xFFFF  }
0x9a: {  	s7 =	simm.s32 $0x0;
	s16 =	rddreg [dreg:$0x12]  }
0x9b: {  	[tilespmem:s7], [sflag:$0x4] =	stream.linear.gather [hbm4b:s16+s7], $0x2800, $0x38;
	[tilespmem:$0x18650] =	vst v63  }
0x9c: {  	_ =	swait.ge [sflag:s5], $0x2800  }
0x9d: {  	[sflag:s5] =	ssyncset.done $0x0;
	s25 =	rddreg [dreg:$0x10]  }
0x9e: {  	s16 =	simm.s32 $0x2800;
	[sflag:s5] =	ssyncadd.s32 $0xFFFFD800;
	s14 =	sadd.s32 s25, s28  }
0x9f: {  	[tilespmem:s16], [sflag:$0x4] =	stream.linear.gather [hbm4b:s14+s7], $0x2800, $0x38;
	[tilespmem:$0x18650] =	vst v63  }
0xa0: {  	_ =	swait.ge [sflag:s5], $0x2800  }
0xa1: {  	[sflag:s5] =	ssyncset.done $0x0  }
0xa2: {  	[sflag:s5] =	ssyncadd.s32 $0xFFFFD800  }
0xa3: {  	[tilespmem:s9], [sflag:$0x1] =	stream.indirect.gather [hbm4b:s4+s8], $0x40, s7, s8, $0xb8;
	[tilespmem:$0x18650] =	vst v63  }
0xa4: {  	s14 =	simm.s32 $0x80  }
0xa5: {  	[tilespmem:s10], [sflag:$0x2] =	stream.indirect.gather [hbm4b:s4+s8], $0x40, s14, s8, $0xb8;
	[tilespmem:$0x18650] =	vst v63  }
0xa6: {  	_ =	swait.ge [sflag:s11], $0x1F40  }
0xa7: {  	[sflag:s11] =	ssyncset.done $0x0  }
0xa8: {  	s7 =	simm.s32 $0x2800;
	[sflag:s11] =	ssyncadd.s32 $0xFFFFE0C0  }
0xa9: {  	[spmem:s2] =	stream.indirect.scatter.add.f32 [tilespmem:s9], [sflag:$0x4], $0x40, s7, s8, $0xb8;
	[tilespmem:$0x18650] =	vst v63  }
0xaa: {  	_ =	swait.ge [sflag:s5], $0x1F40  }
0xab: {  	s17 =	smov.u32 s29;
	[sflag:s5] =	ssyncset.done $0x0  }
0xac: {  	s29 =	simm.s32 @!p0 $0x8E80;
	s25 =	simm.s32 @!p0 $0x7D;
	[sflag:s5] =	ssyncadd.s32 $0xFFFFE0C0  }
0xad: {  	[spmem:s3] =	stream.indirect.scatter.add.f32 @!p0 [tilespmem:s29], [sflag:$0x3], $0x10, s7, s25, $0xb8;
	[tilespmem:$0x18650] =	vst v63  }
0xae: {  	s16 =	simm.s32 $0x100  }
0xaf: {  	[tilespmem:s9], [sflag:$0x1] =	stream.indirect.gather [hbm4b:s4+s8], $0x40, s16, s8, $0xb8;
	[tilespmem:$0x18650] =	vst v63  }
0xb0: {  	_ =	swait.ge [sflag:s12], $0x1F40  }
0xb1: {  	[sflag:s12] =	ssyncset.done $0x0  }
0xb2: {  	s18 =	smov.u32 s30;
	s30 =	simm.s32 $0x2880;
	[sflag:s12] =	ssyncadd.s32 $0xFFFFE0C0  }
0xb3: {  	[spmem:s2] =	stream.indirect.scatter.add.f32 [tilespmem:s10], [sflag:$0x4], $0x40, s30, s8, $0xb8;
	[tilespmem:$0x18650] =	vst v63  }
0xb4: {  	_ =	swait.ge [sflag:s5], $0x1F40  }
0xb5: {  	[sflag:s5] =	ssyncset.done $0x0  }
0xb6: {  	s14 =	simm.s32 $0x800;
	s7 =	simm.s32 $0x100;
	[sflag:s5] =	ssyncadd.s32 $0xFFFFE0C0  }
.LBB2_6:
0xb7: {  	[spmem:s3] =	stream.indirect.scatter.add.f32 @!p0 [tilespmem:s29], [sflag:$0x3], $0x10, s30, s25, $0xb8;
	[tilespmem:$0x18650] =	vst v63  }
0xb8: {  	s16 =	sshra.s32 s14, $0x2;
	s14 =	sadd.s32 $0x400, s14;
	s30 =	sadd.s32 $0x80, s7  }
0xb9: {  	[tilespmem:s10], [sflag:$0x2] =	stream.indirect.gather [hbm4b:s4+s8], $0x40, s30, s8, $0xb8;
	[tilespmem:$0x18650] =	vst v63  }
0xba: {  	p2 =	sne.s32 s14, $0x9C00;
	_ =	swait.ge [sflag:s11], $0x1F40  }
0xbb: {  	[sflag:s11] =	ssyncset.done $0x0  }
0xbc: {  	s30 =	sadd.s32 $0x2800, s7;
	[sflag:s11] =	ssyncadd.s32 $0xFFFFE0C0  }
0xbd: {  	[spmem:s2] =	stream.indirect.scatter.add.f32 [tilespmem:s9], [sflag:$0x4], $0x40, s30, s8, $0xb8;
	[tilespmem:$0x18650] =	vst v63  }
0xbe: {  	_ =	swait.ge [sflag:s5], $0x1F40  }
0xbf: {  	[sflag:s5] =	ssyncset.done $0x0  }
0xc0: {  	[sflag:s5] =	ssyncadd.s32 $0xFFFFE0C0  }
0xc1: {  	[spmem:s3] =	stream.indirect.scatter.add.f32 @!p0 [tilespmem:s29], [sflag:$0x3], $0x10, s30, s25, $0xb8;
	[tilespmem:$0x18650] =	vst v63  }
0xc2: {  	s30 =	sadd.s32 $0x100, s7  }
0xc3: {  	[tilespmem:s9], [sflag:$0x1] =	stream.indirect.gather [hbm4b:s4+s8], $0x40, s30, s8, $0xb8;
	[tilespmem:$0x18650] =	vst v63  }
0xc4: {  	_ =	swait.ge [sflag:s12], $0x1F40  }
0xc5: {  	[sflag:s12] =	ssyncset.done $0x0  }
.Ltmp4:
0xc6: {  	s30 =	sadd.s32 $0x2880, s7;
	[sflag:s12] =	ssyncadd.s32 $0xFFFFE0C0;
	(pc) =	sbr.rel @p2 .LBB2_6-.Ltmp4, $4  }
0xc7: {  	[spmem:s2] =	stream.indirect.scatter.add.f32 [tilespmem:s10], [sflag:$0x4], $0x40, s30, s8, $0xb8;
	[tilespmem:$0x18650] =	vst v63  }
0xc8: {  	s7 =	smov.u32 s16;
	_ =	swait.ge [sflag:s5], $0x1F40  }
0xc9: {  	[sflag:s5] =	ssyncset.done $0x0  }
0xca: {  	[sflag:s5] =	ssyncadd.s32 $0xFFFFE0C0  }
0xcb: {  	[spmem:s3] =	stream.indirect.scatter.add.f32 @!p0 [tilespmem:s29], [sflag:$0x3], $0x10, s30, s25, $0xb8;
	[tilespmem:$0x18650] =	vst v63  }
0xcc: {  	s14 =	sadd.s32 $0x80, s7  }
0xcd: {  	[tilespmem:s10], [sflag:$0x2] =	stream.indirect.gather [hbm4b:s4+s8], $0x40, s14, s8, $0xb8;
	[tilespmem:$0x18650] =	vst v63  }
0xce: {  	_ =	swait.ge [sflag:s11], $0x1F40  }
0xcf: {  	[sflag:s11] =	ssyncset.done $0x0  }
0xd0: {  	s14 =	sadd.s32 $0x2800, s7;
	[sflag:s11] =	ssyncadd.s32 $0xFFFFE0C0  }
0xd1: {  	[spmem:s2] =	stream.indirect.scatter.add.f32 [tilespmem:s9], [sflag:$0x4], $0x40, s14, s8, $0xb8;
	[tilespmem:$0x18650] =	vst v63  }
0xd2: {  	_ =	swait.ge [sflag:s5], $0x1F40  }
0xd3: {  	[sflag:s5] =	ssyncset.done $0x0  }
0xd4: {  	s16 =	simm.s32 @!p0 $0x7D;
	s25 =	simm.s32 @!p0 $0x8E80;
	[sflag:s5] =	ssyncadd.s32 $0xFFFFE0C0  }
0xd5: {  	[spmem:s3] =	stream.indirect.scatter.add.f32 @!p0 [tilespmem:s25], [sflag:$0x3], $0x10, s14, s16, $0xb8;
	[tilespmem:$0x18650] =	vst v63  }
0xd6: {  	s29 =	sadd.s32 $0x100, s7  }
0xd7: {  	[tilespmem:s9], [sflag:$0x1] =	stream.indirect.gather [hbm4b:s4+s8], $0x40, s29, s8, $0xb8;
	[tilespmem:$0x18650] =	vst v63  }
0xd8: {  	_ =	swait.ge [sflag:s12], $0x1F40  }
0xd9: {  	[sflag:s12] =	ssyncset.done $0x0  }
0xda: {  	s7 =	sadd.s32 $0x2880, s7;
	[sflag:s12] =	ssyncadd.s32 $0xFFFFE0C0  }
0xdb: {  	[spmem:s2] =	stream.indirect.scatter.add.f32 [tilespmem:s10], [sflag:$0x4], $0x40, s7, s8, $0xb8;
	[tilespmem:$0x18650] =	vst v63  }
0xdc: {  	_ =	swait.ge [sflag:s5], $0x1F40  }
0xdd: {  	[sflag:s5] =	ssyncset.done $0x0  }
0xde: {  	[sflag:s5] =	ssyncadd.s32 $0xFFFFE0C0  }
0xdf: {  	[spmem:s3] =	stream.indirect.scatter.add.f32 @!p0 [tilespmem:s25], [sflag:$0x3], $0x10, s7, s16, $0xb8;
	[tilespmem:$0x18650] =	vst v63  }
0xe0: {  	s30 =	simm.s32 $0x2780  }
0xe1: {  	[tilespmem:s10], [sflag:$0x2] =	stream.indirect.gather [hbm4b:s4+s8], $0x40, s30, s8, $0xb8;
	[tilespmem:$0x18650] =	vst v63  }
0xe2: {  	_ =	swait.ge [sflag:s11], $0x1F40  }
0xe3: {  	[sflag:s11] =	ssyncset.done $0x0  }
.Ltmp5:
0xe4: {  	s7 =	simm.s32 $0x4F00;
	[sflag:s11] =	ssyncadd.s32 $0xFFFFE0C0;
	(pc) =	sbr.rel @p0 .LBB2_11-.Ltmp5, $4  }
0xe5: {  	[spmem:s2] =	stream.indirect.scatter.add.f32 [tilespmem:s9], [sflag:$0x4], $0x40, s7, s8, $0xb8;
	[tilespmem:$0x18650] =	vst v63  }
0xe6: {  	_ =	swait.ge [sflag:s5], $0x1F40  }
0xe7: {  	[sflag:s5] =	ssyncset.done $0x0  }
0xe8: {  	[sflag:s5] =	ssyncadd.s32 $0xFFFFE0C0  }
0xe9: {  	s14 =	simm.s32 $0x8E80  }
0xea: {  	[spmem:s3] =	stream.indirect.scatter.add.f32 [tilespmem:s14], [sflag:$0x3], $0x10, s7, s8, $0xb8;
	[tilespmem:$0x18650] =	vst v63  }
0xeb: {  	_ =	swait.ge [sflag:s12], $0x1F40  }
0xec: {  	[sflag:s12] =	ssyncset.done $0x0  }
0xed: {  	s30 =	simm.s32 $0x4F80;
	[sflag:s12] =	ssyncadd.s32 $0xFFFFE0C0  }
0xee: {  	[spmem:s2] =	stream.indirect.scatter.add.f32 [tilespmem:s10], [sflag:$0x4], $0x40, s30, s8, $0xb8;
	[tilespmem:$0x18650] =	vst v63  }
0xef: {  	_ =	swait.ge [sflag:s5], $0x1F40  }
0xf0: {  	[sflag:s5] =	ssyncset.done $0x0  }
0xf1: {  	[sflag:s5] =	ssyncadd.s32 $0xFFFFE0C0  }
0xf2: {  	[spmem:s3] =	stream.indirect.scatter.add.f32 [tilespmem:s14], [sflag:$0x3], $0x10, s30, s8, $0xb8;
	[tilespmem:$0x18650] =	vst v63  }
0xf3: {  	_ =	swait.ge [sflag:s31], $0x7D0  }
0xf4: {  	s19 =	simm.s32 $0x4F80;
	s7 =	simm.s32 $0x4F;
	[sflag:s31] =	ssyncset.done $0x0  }
.LBB2_9:
0xf5: {  	p2 =	seq.s32 s7, $0x1;
	s7 =	sadd.s32 $0xFFFFFFFF, s7;
	[sflag:s31] =	ssyncadd.s32 $0xFFFFF830  }
.Ltmp6:
0xf6: {  	(pc) =	sbr.rel @!p2 .LBB2_9-.Ltmp6, $3  }
0xf7: {  	_ =	sdelay $0x1  }
0xf8: {  	_ =	swait.ge [sflag:s31], $0x7D0  }
0xf9: {  	[sflag:s31] =	ssyncset.done $0x0  }
.Ltmp7:
0xfa: {  	(pc) =	sbr.rel .LBB2_12-.Ltmp7, $2  }
0xfb: {  	_ =	sdelay $0x2  }
0xfc: {  	[sflag:s31] =	ssyncadd.s32 $0xFFFFF830  }
.LBB2_11:
0xfd: {  	_ =	swait.ge [sflag:s12], $0x1F40  }
0xfe: {  	[sflag:s12] =	ssyncset.done $0x0  }
0xff: {  	[sflag:s12] =	ssyncadd.s32 $0xFFFFE0C0  }
0x100: {  	[spmem:s2] =	stream.indirect.scatter.add.f32 [tilespmem:s10], [sflag:$0x4], $0x40, s19, s8, $0xb8;
	[tilespmem:$0x18650] =	vst v63  }
0x101: {  	_ =	swait.ge [sflag:s5], $0x1F40  }
0x102: {  	[sflag:s5] =	ssyncset.done $0x0  }
0x103: {  	[sflag:s5] =	ssyncadd.s32 $0xFFFFE0C0  }
.LBB2_12:
0x104: {  	s7 =	simm.s32 $0x0;
	s14 =	rddreg [dreg:$0x13]  }
0x105: {  	[tilespmem:s7], [sflag:$0x4] =	stream.linear.gather [hbm4b:s14+s7], $0x2800, $0x38;
	[tilespmem:$0x18650] =	vst v63  }
0x106: {  	_ =	swait.ge [sflag:s5], $0x2800  }
0x107: {  	[sflag:s5] =	ssyncset.done $0x0;
	s25 =	rddreg [dreg:$0x11]  }
0x108: {  	s16 =	simm.s32 $0x2800;
	[sflag:s5] =	ssyncadd.s32 $0xFFFFD800;
	s14 =	sadd.s32 s25, s28  }
0x109: {  	[tilespmem:s16], [sflag:$0x4] =	stream.linear.gather [hbm4b:s14+s7], $0x2800, $0x38;
	[tilespmem:$0x18650] =	vst v63  }
0x10a: {  	_ =	swait.ge [sflag:s5], $0x2800  }
0x10b: {  	[sflag:s5] =	ssyncset.done $0x0  }
0x10c: {  	[sflag:s5] =	ssyncadd.s32 $0xFFFFD800  }
0x10d: {  	[tilespmem:s9], [sflag:$0x1] =	stream.indirect.gather [hbm4b:s4+s8], $0x40, s7, s8, $0xb8;
	[tilespmem:$0x18650] =	vst v63  }
0x10e: {  	s14 =	simm.s32 $0x80  }
0x10f: {  	[tilespmem:s10], [sflag:$0x2] =	stream.indirect.gather [hbm4b:s4+s8], $0x40, s14, s8, $0xb8;
	[tilespmem:$0x18650] =	vst v63  }
0x110: {  	_ =	swait.ge [sflag:s11], $0x1F40  }
0x111: {  	[sflag:s11] =	ssyncset.done $0x0  }
0x112: {  	s7 =	simm.s32 $0x2800;
	[sflag:s11] =	ssyncadd.s32 $0xFFFFE0C0  }
0x113: {  	[spmem:s2] =	stream.indirect.scatter.add.f32 [tilespmem:s9], [sflag:$0x4], $0x40, s7, s8, $0xb8;
	[tilespmem:$0x18650] =	vst v63  }
0x114: {  	_ =	swait.ge [sflag:s5], $0x1F40  }
0x115: {  	[sflag:s5] =	ssyncset.done $0x0  }
0x116: {  	s29 =	simm.s32 @!p1 $0x8E80;
	s25 =	simm.s32 @!p1 $0x7D;
	[sflag:s5] =	ssyncadd.s32 $0xFFFFE0C0  }
0x117: {  	[spmem:s3] =	stream.indirect.scatter.add.f32 @!p1 [tilespmem:s29], [sflag:$0x3], $0x10, s7, s25, $0xb8;
	[tilespmem:$0x18650] =	vst v63  }
0x118: {  	s16 =	simm.s32 $0x100  }
0x119: {  	[tilespmem:s9], [sflag:$0x1] =	stream.indirect.gather [hbm4b:s4+s8], $0x40, s16, s8, $0xb8;
	[tilespmem:$0x18650] =	vst v63  }
0x11a: {  	_ =	swait.ge [sflag:s12], $0x1F40  }
0x11b: {  	[sflag:s12] =	ssyncset.done $0x0  }
0x11c: {  	s30 =	simm.s32 $0x2880;
	[sflag:s12] =	ssyncadd.s32 $0xFFFFE0C0  }
0x11d: {  	[spmem:s2] =	stream.indirect.scatter.add.f32 [tilespmem:s10], [sflag:$0x4], $0x40, s30, s8, $0xb8;
	[tilespmem:$0x18650] =	vst v63  }
0x11e: {  	_ =	swait.ge [sflag:s5], $0x1F40  }
0x11f: {  	[sflag:s5] =	ssyncset.done $0x0  }
0x120: {  	s14 =	simm.s32 $0x800;
	s7 =	simm.s32 $0x100;
	[sflag:s5] =	ssyncadd.s32 $0xFFFFE0C0  }
.LBB2_13:
0x121: {  	[spmem:s3] =	stream.indirect.scatter.add.f32 @!p1 [tilespmem:s29], [sflag:$0x3], $0x10, s30, s25, $0xb8;
	[tilespmem:$0x18650] =	vst v63  }
0x122: {  	s16 =	sshra.s32 s14, $0x2;
	s14 =	sadd.s32 $0x400, s14;
	s30 =	sadd.s32 $0x80, s7  }
0x123: {  	[tilespmem:s10], [sflag:$0x2] =	stream.indirect.gather [hbm4b:s4+s8], $0x40, s30, s8, $0xb8;
	[tilespmem:$0x18650] =	vst v63  }
0x124: {  	p2 =	sne.s32 s14, $0x9C00;
	_ =	swait.ge [sflag:s11], $0x1F40  }
0x125: {  	[sflag:s11] =	ssyncset.done $0x0  }
0x126: {  	s30 =	sadd.s32 $0x2800, s7;
	[sflag:s11] =	ssyncadd.s32 $0xFFFFE0C0  }
0x127: {  	[spmem:s2] =	stream.indirect.scatter.add.f32 [tilespmem:s9], [sflag:$0x4], $0x40, s30, s8, $0xb8;
	[tilespmem:$0x18650] =	vst v63  }
0x128: {  	_ =	swait.ge [sflag:s5], $0x1F40  }
0x129: {  	[sflag:s5] =	ssyncset.done $0x0  }
0x12a: {  	[sflag:s5] =	ssyncadd.s32 $0xFFFFE0C0  }
0x12b: {  	[spmem:s3] =	stream.indirect.scatter.add.f32 @!p1 [tilespmem:s29], [sflag:$0x3], $0x10, s30, s25, $0xb8;
	[tilespmem:$0x18650] =	vst v63  }
0x12c: {  	s30 =	sadd.s32 $0x100, s7  }
0x12d: {  	[tilespmem:s9], [sflag:$0x1] =	stream.indirect.gather [hbm4b:s4+s8], $0x40, s30, s8, $0xb8;
	[tilespmem:$0x18650] =	vst v63  }
0x12e: {  	_ =	swait.ge [sflag:s12], $0x1F40  }
0x12f: {  	[sflag:s12] =	ssyncset.done $0x0  }
.Ltmp8:
0x130: {  	s30 =	sadd.s32 $0x2880, s7;
	[sflag:s12] =	ssyncadd.s32 $0xFFFFE0C0;
	(pc) =	sbr.rel @p2 .LBB2_13-.Ltmp8, $4  }
0x131: {  	[spmem:s2] =	stream.indirect.scatter.add.f32 [tilespmem:s10], [sflag:$0x4], $0x40, s30, s8, $0xb8;
	[tilespmem:$0x18650] =	vst v63  }
0x132: {  	s7 =	smov.u32 s16;
	_ =	swait.ge [sflag:s5], $0x1F40  }
0x133: {  	[sflag:s5] =	ssyncset.done $0x0  }
0x134: {  	[sflag:s5] =	ssyncadd.s32 $0xFFFFE0C0  }
0x135: {  	[spmem:s3] =	stream.indirect.scatter.add.f32 @!p1 [tilespmem:s29], [sflag:$0x3], $0x10, s30, s25, $0xb8;
	[tilespmem:$0x18650] =	vst v63  }
0x136: {  	s14 =	sadd.s32 $0x80, s7  }
0x137: {  	[tilespmem:s10], [sflag:$0x2] =	stream.indirect.gather [hbm4b:s4+s8], $0x40, s14, s8, $0xb8;
	[tilespmem:$0x18650] =	vst v63  }
0x138: {  	_ =	swait.ge [sflag:s11], $0x1F40  }
0x139: {  	[sflag:s11] =	ssyncset.done $0x0  }
0x13a: {  	s14 =	sadd.s32 $0x2800, s7;
	[sflag:s11] =	ssyncadd.s32 $0xFFFFE0C0  }
0x13b: {  	[spmem:s2] =	stream.indirect.scatter.add.f32 [tilespmem:s9], [sflag:$0x4], $0x40, s14, s8, $0xb8;
	[tilespmem:$0x18650] =	vst v63  }
0x13c: {  	_ =	swait.ge [sflag:s5], $0x1F40  }
0x13d: {  	[sflag:s5] =	ssyncset.done $0x0  }
0x13e: {  	s16 =	simm.s32 @!p1 $0x7D;
	s25 =	simm.s32 @!p1 $0x8E80;
	[sflag:s5] =	ssyncadd.s32 $0xFFFFE0C0  }
0x13f: {  	[spmem:s3] =	stream.indirect.scatter.add.f32 @!p1 [tilespmem:s25], [sflag:$0x3], $0x10, s14, s16, $0xb8;
	[tilespmem:$0x18650] =	vst v63  }
0x140: {  	s29 =	sadd.s32 $0x100, s7  }
0x141: {  	[tilespmem:s9], [sflag:$0x1] =	stream.indirect.gather [hbm4b:s4+s8], $0x40, s29, s8, $0xb8;
	[tilespmem:$0x18650] =	vst v63  }
0x142: {  	_ =	swait.ge [sflag:s12], $0x1F40  }
0x143: {  	[sflag:s12] =	ssyncset.done $0x0  }
0x144: {  	s7 =	sadd.s32 $0x2880, s7;
	[sflag:s12] =	ssyncadd.s32 $0xFFFFE0C0  }
0x145: {  	[spmem:s2] =	stream.indirect.scatter.add.f32 [tilespmem:s10], [sflag:$0x4], $0x40, s7, s8, $0xb8;
	[tilespmem:$0x18650] =	vst v63  }
0x146: {  	_ =	swait.ge [sflag:s5], $0x1F40  }
0x147: {  	[sflag:s5] =	ssyncset.done $0x0  }
0x148: {  	[sflag:s5] =	ssyncadd.s32 $0xFFFFE0C0  }
0x149: {  	[spmem:s3] =	stream.indirect.scatter.add.f32 @!p1 [tilespmem:s25], [sflag:$0x3], $0x10, s7, s16, $0xb8;
	[tilespmem:$0x18650] =	vst v63  }
0x14a: {  	s30 =	simm.s32 $0x2780  }
0x14b: {  	[tilespmem:s10], [sflag:$0x2] =	stream.indirect.gather [hbm4b:s4+s8], $0x40, s30, s8, $0xb8;
	[tilespmem:$0x18650] =	vst v63  }
0x14c: {  	_ =	swait.ge [sflag:s11], $0x1F40  }
0x14d: {  	[sflag:s11] =	ssyncset.done $0x0  }
.Ltmp9:
0x14e: {  	s7 =	simm.s32 $0x4F00;
	[sflag:s11] =	ssyncadd.s32 $0xFFFFE0C0;
	(pc) =	sbr.rel @p1 .LBB2_18-.Ltmp9, $4  }
0x14f: {  	[spmem:s2] =	stream.indirect.scatter.add.f32 [tilespmem:s9], [sflag:$0x4], $0x40, s7, s8, $0xb8;
	[tilespmem:$0x18650] =	vst v63  }
0x150: {  	_ =	swait.ge [sflag:s5], $0x1F40  }
0x151: {  	[sflag:s5] =	ssyncset.done $0x0  }
0x152: {  	[sflag:s5] =	ssyncadd.s32 $0xFFFFE0C0  }
0x153: {  	s14 =	simm.s32 $0x8E80  }
0x154: {  	[spmem:s3] =	stream.indirect.scatter.add.f32 [tilespmem:s14], [sflag:$0x3], $0x10, s7, s8, $0xb8;
	[tilespmem:$0x18650] =	vst v63  }
0x155: {  	_ =	swait.ge [sflag:s12], $0x1F40  }
0x156: {  	[sflag:s12] =	ssyncset.done $0x0  }
0x157: {  	s25 =	simm.s32 $0x4F80;
	[sflag:s12] =	ssyncadd.s32 $0xFFFFE0C0  }
0x158: {  	[spmem:s2] =	stream.indirect.scatter.add.f32 [tilespmem:s10], [sflag:$0x4], $0x40, s25, s8, $0xb8;
	[tilespmem:$0x18650] =	vst v63  }
0x159: {  	_ =	swait.ge [sflag:s5], $0x1F40  }
0x15a: {  	[sflag:s5] =	ssyncset.done $0x0  }
0x15b: {  	[sflag:s5] =	ssyncadd.s32 $0xFFFFE0C0  }
0x15c: {  	[spmem:s3] =	stream.indirect.scatter.add.f32 [tilespmem:s14], [sflag:$0x3], $0x10, s25, s8, $0xb8;
	[tilespmem:$0x18650] =	vst v63  }
0x15d: {  	s19 =	simm.s32 $0x4F80;
	s29 =	smov.u32 s17;
	_ =	swait.ge [sflag:s31], $0x7D0  }
0x15e: {  	s30 =	smov.u32 s18;
	s7 =	simm.s32 $0x4F;
	[sflag:s31] =	ssyncset.done $0x0  }
.LBB2_16:
0x15f: {  	p2 =	seq.s32 s7, $0x1;
	s7 =	sadd.s32 $0xFFFFFFFF, s7;
	[sflag:s31] =	ssyncadd.s32 $0xFFFFF830  }
.Ltmp10:
0x160: {  	(pc) =	sbr.rel @!p2 .LBB2_16-.Ltmp10, $3  }
0x161: {  	_ =	sdelay $0x1  }
0x162: {  	_ =	swait.ge [sflag:s31], $0x7D0  }
0x163: {  	[sflag:s31] =	ssyncset.done $0x0  }
.Ltmp11:
0x164: {  	(pc) =	sbr.rel .LBB2_19-.Ltmp11, $2  }
0x165: {  	_ =	sdelay $0x2  }
0x166: {  	[sflag:s31] =	ssyncadd.s32 $0xFFFFF830  }
.LBB2_20:
0x167: {  	_ =	sfence.sel $0x180000  }
0x168: {  	[bflag:$0x0] =	sbarrier.arrive $0xFFFF  }
0x169: {  	_ =	strace $0x90000047  }
0x16a: {  	s0 =	stileid.u32;
	[bflag:$0x2] =	sbarrier.arrive $0xFFFF  }
0x16b: {  	p0 =	sne.s32 s0, $0x0;
	s0 =	rddreg [dreg:$0x4]  }
0x16c: {  	s0 =	sadd.s32 @!p0 $0x100000, s0  }
0x16d: {  	[sflag:s0] =	ssyncadd.tile.s32 @!p0 $0x1;
	_ =	shalt  }
.Lfunc_end2:
_tile_overlayer_lowered:
.L_overlay_start_2:
0x16e: {  	(tag) =	ssettag $0x2  }
0x16f: {  	s0 =	rddreg [dreg:$0x0];
	s2 =	stileid.u32  }
0x170: {  	s1 =	rddreg [dreg:$0x1];
	p0 =	sne.s32 s2, $0x0  }
0x171: {  	s3 =	rddreg [dreg:$0x2];
	[bflag:$0x3] =	sbarrier.arrive $0xFFFF;
	s2 =	simm.s32 @!p0 $0x1C04  }
0x172: {  	[timem:s3], [sflag:s2] =	dma.local @!p0 [hbm:s0], s1  }
0x173: {  	s0 =	simm.s32 @!p0 $0x4  }
0x174: {  	_ =	swait.ge @!p0 [sflag:s0], s1  }
0x175: {  	s1 =	ssub.s32 @!p0 $0x0, s1;
	[sflag:s0] =	ssyncset.done @!p0 $0x0  }
0x176: {  	[sflag:s0] =	ssyncadd.s32 @!p0 s1  }
0x177: {  	[bflag:$0x3] =	sbarrier.arrive $0xFFFF  }
0x178: {  	_ =	shalt  }

</sc_bundles>
